<compile_context>
chip_gen: v7x
topology: tpu7x:2x2x1
jax: 0.10.2.dev20260603
libtpu: 0.0.44.dev20260713+nightly
codegen_flags: <defaults>
</compile_context>

<pallas_src>
import functools
import math

import jax
import jax.numpy as jnp
import numpy as np
from jax import lax
from jax.experimental import pallas as pl
from jax.experimental.pallas import tpu as pltpu
from jax.experimental.pallas import tpu_sc as plsc

N_SUB = 10000
E = 160000
D = 256
H = 8
DH = D // H
NUM_REL = 16
BETA = 0.5

EB = 2000
NB = E // EB
C = 128
NCH = E // C
ROWS_PER_TILE = N_SUB // 16

_f32 = jnp.float32


def _node_proj_body(x_ref, wq_ref, ws_ref, q_ref, sk_ref):
    x = x_ref[...]
    q_ref[...] = jnp.dot(x, wq_ref[...], preferred_element_type=_f32)
    sk_ref[...] = jnp.dot(x, ws_ref[...], preferred_element_type=_f32)


def _node_proj(x_embed, Wq, Wsk):
    blk = 2000
    return pl.pallas_call(
        _node_proj_body,
        grid=(N_SUB // blk,),
        in_specs=[
            pl.BlockSpec((blk, D), lambda i: (i, 0)),
            pl.BlockSpec((D, D), lambda i: (0, 0)),
            pl.BlockSpec((D, D), lambda i: (0, 0)),
        ],
        out_specs=[
            pl.BlockSpec((blk, D), lambda i: (i, 0)),
            pl.BlockSpec((blk, D), lambda i: (i, 0)),
        ],
        out_shape=[
            jax.ShapeDtypeStruct((N_SUB, D), _f32),
            jax.ShapeDtypeStruct((N_SUB, D), _f32),
        ],
    )(x_embed, Wq, Wsk)


def _gather_body(n_id_h, src_h, dst_h, xemb_h, qfull_h, skfull_h,
                 xs_h, qd_h, skip_h,
                 nid_v, idxr_v, idxg_v, idx80_v, rows_v, sem):
    c = lax.axis_index("c")
    s = lax.axis_index("s")
    wid = s * 2 + c

    pltpu.sync_copy(n_id_h, nid_v)

    def chained_gather(i, idx_src_h, table_h, out_h):
        chunk = wid + 32 * i

        @pl.when(chunk < NCH)
        def _():
            base = chunk * C
            pltpu.sync_copy(idx_src_h.at[pl.ds(base, C)], idxr_v)
            for j in range(C // 16):
                s16 = idxr_v[pl.ds(j * 16, 16)]
                idxg_v[pl.ds(j * 16, 16)] = plsc.load_gather(nid_v, [s16])
            pltpu.async_copy(table_h.at[idxg_v], rows_v, sem).wait()
            pltpu.sync_copy(rows_v, out_h.at[pl.ds(base, C)])

    def xs_body(i, carry):
        chained_gather(i, src_h, xemb_h, xs_h)
        return carry

    def qd_body(i, carry):
        chained_gather(i, dst_h, qfull_h, qd_h)
        return carry

    lax.fori_loop(0, (NCH + 31) // 32, xs_body, 0)
    lax.fori_loop(0, (NCH + 31) // 32, qd_body, 0)

    def sk_body(i, carry):
        chunk = wid + 32 * i

        @pl.when(chunk < 125)
        def _():
            base = chunk * 80
            pltpu.sync_copy(n_id_h.at[pl.ds(base, 80)], idx80_v)
            pltpu.async_copy(skfull_h.at[idx80_v], rows_v.at[pl.ds(0, 80)],
                             sem).wait()
            pltpu.sync_copy(rows_v.at[pl.ds(0, 80)], skip_h.at[pl.ds(base, 80)])
        return carry

    lax.fori_loop(0, 4, sk_body, 0)


def _sc_gather(n_id, src, dst, x_embed, qfull, skfull):
    mesh = plsc.VectorSubcoreMesh(core_axis_name="c", subcore_axis_name="s",
                                  num_cores=2, num_subcores=16)
    f = pl.kernel(
        _gather_body,
        out_type=[
            jax.ShapeDtypeStruct((E, D), _f32),
            jax.ShapeDtypeStruct((E, D), _f32),
            jax.ShapeDtypeStruct((N_SUB, D), _f32),
        ],
        mesh=mesh,
        scratch_types=[
            pltpu.VMEM((N_SUB,), jnp.int32),
            pltpu.VMEM((C,), jnp.int32),
            pltpu.VMEM((C,), jnp.int32),
            pltpu.VMEM((80,), jnp.int32),
            pltpu.VMEM((C, D), _f32),
            pltpu.SemaphoreType.DMA,
        ],
        compiler_params=pltpu.CompilerParams(needs_layout_passes=False),
    )
    return f(n_id, src, dst, x_embed, qfull, skfull)


def _edge_body(xs_ref, qd_ref, dt_ref, et_ref, freq_ref, phase_ref,
               comb_ref, s16_ref, hs_ref, wk_ref, wv_ref,
               sv_ref, ex_ref):
    dt = dt_ref[...]
    te = jnp.cos(dt * freq_ref[...] + phase_ref[...])
    et = et_ref[...]
    io = lax.broadcasted_iota(jnp.int32, (EB, 16), 1)
    oh = (et == io).astype(_f32)
    msg = xs_ref[...] + te + jnp.dot(oh, comb_ref[...],
                                     preferred_element_type=_f32)
    k = jnp.dot(msg, wk_ref[...], preferred_element_type=_f32)
    v = jnp.dot(msg, wv_ref[...], preferred_element_type=_f32)
    qk = qd_ref[...] * k
    logits = jnp.dot(qk, s16_ref[...], preferred_element_type=_f32)
    ex = jnp.exp(logits * (1.0 / math.sqrt(DH)))
    ex_ref[...] = jnp.concatenate(
        [ex, jnp.zeros((EB, 112), _f32)], axis=1)
    sv_ref[...] = v * jnp.dot(ex, hs_ref[...], preferred_element_type=_f32)


def _edge_tc(xs, qd, dt2, et2, freq2, phase2, comb, S16, HS, Wk, Wv):
    return pl.pallas_call(
        _edge_body,
        grid=(NB,),
        in_specs=[
            pl.BlockSpec((EB, D), lambda i: (i, 0)),
            pl.BlockSpec((EB, D), lambda i: (i, 0)),
            pl.BlockSpec((EB, 1), lambda i: (i, 0)),
            pl.BlockSpec((EB, 1), lambda i: (i, 0)),
            pl.BlockSpec((1, D), lambda i: (0, 0)),
            pl.BlockSpec((1, D), lambda i: (0, 0)),
            pl.BlockSpec((16, D), lambda i: (0, 0)),
            pl.BlockSpec((D, 16), lambda i: (0, 0)),
            pl.BlockSpec((16, D), lambda i: (0, 0)),
            pl.BlockSpec((D, D), lambda i: (0, 0)),
            pl.BlockSpec((D, D), lambda i: (0, 0)),
        ],
        out_specs=[
            pl.BlockSpec((EB, D), lambda i: (i, 0)),
            pl.BlockSpec((EB, 128), lambda i: (i, 0)),
        ],
        out_shape=[
            jax.ShapeDtypeStruct((E, D), _f32),
            jax.ShapeDtypeStruct((E, 128), _f32),
        ],
    )(xs, qd, dt2, et2, freq2, phase2, comb, S16, HS, Wk, Wv)


def _scatter_body(dst_h, sv_h, zeros_h, agg_h, idx_v, rows_v, agg_s):
    c = lax.axis_index("c")
    s = lax.axis_index("s")

    pltpu.sync_copy(zeros_h, rows_v)

    def ibody(i, carry):
        rchunk = s + 16 * i

        @pl.when(rchunk < 78)
        def _():
            pltpu.sync_copy(rows_v, agg_s.at[pl.ds(rchunk * 128, 128)])
        return carry

    lax.fori_loop(0, 5, ibody, 0)

    @pl.when(s == 15)
    def _():
        pltpu.sync_copy(rows_v.at[pl.ds(0, 16)], agg_s.at[pl.ds(9984, 16)])

    plsc.subcore_barrier()

    def cbody(i, carry):
        chunk = s + 16 * i

        @pl.when(chunk < NCH)
        def _():
            base = chunk * C
            pltpu.sync_copy(dst_h.at[pl.ds(base, C)], idx_v)
            pltpu.sync_copy(sv_h.at[pl.ds(base, C), pl.ds(c * 128, 128)],
                            rows_v)
            pltpu.sync_copy(rows_v, agg_s.at[idx_v], add=True)
        return carry

    lax.fori_loop(0, (NCH + 15) // 16, cbody, 0)
    plsc.subcore_barrier()

    def obody(i, carry):
        rchunk = s + 16 * i

        @pl.when(rchunk < 78)
        def _():
            r0 = rchunk * 128
            pltpu.sync_copy(agg_s.at[pl.ds(r0, 128)], rows_v)
            pltpu.sync_copy(rows_v,
                            agg_h.at[pl.ds(r0, 128), pl.ds(c * 128, 128)])
        return carry

    lax.fori_loop(0, 5, obody, 0)

    @pl.when(s == 15)
    def _():
        pltpu.sync_copy(agg_s.at[pl.ds(9984, 16)], rows_v.at[pl.ds(0, 16)])
        pltpu.sync_copy(rows_v.at[pl.ds(0, 16)],
                        agg_h.at[pl.ds(9984, 16), pl.ds(c * 128, 128)])


def _sc_scatter(dst, sv, zeros128):
    mesh = plsc.VectorSubcoreMesh(core_axis_name="c", subcore_axis_name="s",
                                  num_cores=2, num_subcores=16)
    f = pl.kernel(
        _scatter_body,
        out_type=[jax.ShapeDtypeStruct((N_SUB, D), _f32)],
        mesh=mesh,
        scratch_types=[
            pltpu.VMEM((C,), jnp.int32),
            pltpu.VMEM((C, 128), _f32),
            pltpu.VMEM_SHARED((N_SUB, 128), _f32),
        ],
        compiler_params=pltpu.CompilerParams(needs_layout_passes=False),
    )
    (agg,) = f(dst, sv, zeros128)
    return agg


def _den_body(dst_h, ex_h, zeros_h, den_h, idx_v, rows_v, den_s):
    c = lax.axis_index("c")
    s = lax.axis_index("s")
    wid = s * 2 + c

    pltpu.sync_copy(zeros_h, rows_v)

    def ibody(i, carry):
        rchunk = s + 16 * i

        @pl.when(rchunk < 78)
        def _():
            pltpu.sync_copy(rows_v, den_s.at[pl.ds(rchunk * 128, 128)])
        return carry

    lax.fori_loop(0, 5, ibody, 0)

    @pl.when(s == 15)
    def _():
        pltpu.sync_copy(rows_v.at[pl.ds(0, 16)], den_s.at[pl.ds(9984, 16)])

    plsc.subcore_barrier()

    def cbody(i, carry):
        chunk = wid + 32 * i

        @pl.when(chunk < NCH)
        def _():
            base = chunk * C
            pltpu.sync_copy(dst_h.at[pl.ds(base, C)], idx_v)
            pltpu.sync_copy(ex_h.at[pl.ds(base, C)], rows_v)
            pltpu.sync_copy(rows_v, den_s.at[idx_v], add=True)
        return carry

    lax.fori_loop(0, (NCH + 31) // 32, cbody, 0)
    plsc.subcore_barrier()

    def obody(i, carry):
        rchunk = s + 16 * i

        @pl.when(rchunk < 78)
        def _():
            r0 = rchunk * 128
            pltpu.sync_copy(den_s.at[pl.ds(r0, 128)], rows_v)
            pltpu.sync_copy(rows_v, den_h.at[pl.ds(c * N_SUB + r0, 128)])
        return carry

    lax.fori_loop(0, 5, obody, 0)

    @pl.when(s == 15)
    def _():
        pltpu.sync_copy(den_s.at[pl.ds(9984, 16)], rows_v.at[pl.ds(0, 16)])
        pltpu.sync_copy(rows_v.at[pl.ds(0, 16)],
                        den_h.at[pl.ds(c * N_SUB + 9984, 16)])


def _sc_den(dst, ex128, zeros128):
    mesh = plsc.VectorSubcoreMesh(core_axis_name="c", subcore_axis_name="s",
                                  num_cores=2, num_subcores=16)
    f = pl.kernel(
        _den_body,
        out_type=[jax.ShapeDtypeStruct((2 * N_SUB, 128), _f32)],
        mesh=mesh,
        scratch_types=[
            pltpu.VMEM((C,), jnp.int32),
            pltpu.VMEM((C, 128), _f32),
            pltpu.VMEM_SHARED((N_SUB, 128), _f32),
        ],
        compiler_params=pltpu.CompilerParams(needs_layout_passes=False),
    )
    (den2,) = f(dst, ex128, zeros128)
    return den2


def _mix_body(skip_ref, agg_ref, den0_ref, den1_ref, hs_ref, outv_ref, st_ref):
    i = pl.program_id(0)
    den = den0_ref[...] + den1_ref[...]
    inv = 1.0 / (den + 1e-16)
    invb = jnp.dot(inv, hs_ref[...], preferred_element_type=_f32)
    outv = skip_ref[...] + (1.0 - BETA) * agg_ref[...] * invb
    outv_ref[...] = outv
    s1 = jnp.sum(outv, axis=0, keepdims=True)
    s2 = jnp.sum(outv * outv, axis=0, keepdims=True)
    st = jnp.concatenate([s1, s2], axis=0)

    @pl.when(i == 0)
    def _():
        st_ref[...] = st

    @pl.when(i > 0)
    def _():
        st_ref[...] = st_ref[...] + st


def _bn_body(outv_ref, st_ref, g_ref, b_ref, out_ref):
    st = st_ref[...]
    mu = st[0:1, :] * (1.0 / N_SUB)
    var = st[1:2, :] * (1.0 / N_SUB) - mu * mu
    scale = g_ref[...] * lax.rsqrt(var + 1e-5)
    shift = b_ref[...] - mu * scale
    y = outv_ref[...] * scale + shift
    out_ref[...] = jnp.where(y > 0.0, y, jnp.exp(y) - 1.0)


def _finalize(skipg, agg, den2, HS128, gamma2, beta2):
    blk = 2000
    nblk = N_SUB // blk
    outv, st = pl.pallas_call(
        _mix_body,
        grid=(nblk,),
        in_specs=[
            pl.BlockSpec((blk, D), lambda i: (i, 0)),
            pl.BlockSpec((blk, D), lambda i: (i, 0)),
            pl.BlockSpec((blk, 128), lambda i: (i, 0)),
            pl.BlockSpec((blk, 128), lambda i: (i + nblk, 0)),
            pl.BlockSpec((128, D), lambda i: (0, 0)),
        ],
        out_specs=[
            pl.BlockSpec((blk, D), lambda i: (i, 0)),
            pl.BlockSpec((2, D), lambda i: (0, 0)),
        ],
        out_shape=[
            jax.ShapeDtypeStruct((N_SUB, D), _f32),
            jax.ShapeDtypeStruct((2, D), _f32),
        ],
    )(skipg, agg, den2, den2, HS128)
    return pl.pallas_call(
        _bn_body,
        grid=(N_SUB // blk,),
        in_specs=[
            pl.BlockSpec((blk, D), lambda i: (i, 0)),
            pl.BlockSpec((2, D), lambda i: (0, 0)),
            pl.BlockSpec((1, D), lambda i: (0, 0)),
            pl.BlockSpec((1, D), lambda i: (0, 0)),
        ],
        out_specs=pl.BlockSpec((blk, D), lambda i: (i, 0)),
        out_shape=jax.ShapeDtypeStruct((N_SUB, D), _f32),
    )(outv, st, gamma2, beta2)


_hh = np.repeat(np.arange(H), DH)
_S16_np = (_hh[:, None] == np.arange(16)[None, :]).astype(np.float32)


def kernel(n_id, edge_index, edge_type, delta_t, x_embed, rel_embed,
           edge_attr_lookup, time_basis_freq, time_phase,
           Wq, Wk, Wv, Wskip, bn_gamma, bn_beta):
    src = edge_index[0]
    dst = edge_index[1]
    comb = rel_embed + edge_attr_lookup
    S16 = jnp.asarray(_S16_np)
    HS = jnp.asarray(_S16_np.T)
    dt2 = delta_t.reshape(E, 1)
    et2 = edge_type.reshape(E, 1)
    freq2 = time_basis_freq.reshape(1, D)
    phase2 = time_phase.reshape(1, D)
    zeros128 = jnp.zeros((128, 128), _f32)

    qfull, skfull = _node_proj(x_embed, Wq, BETA * Wskip)
    xs, qd, skipg = _sc_gather(n_id, src, dst, x_embed, qfull, skfull)
    sv, ex128 = _edge_tc(xs, qd, dt2, et2, freq2, phase2, comb, S16, HS,
                         Wk, Wv)
    agg = _sc_scatter(dst, sv, zeros128)
    den2 = _sc_den(dst, ex128, zeros128)
    HS128 = jnp.concatenate([HS, jnp.zeros((112, D), _f32)], axis=0)
    return _finalize(skipg, agg, den2, HS128,
                     bn_gamma.reshape(1, D), bn_beta.reshape(1, D))

# --- scband reference (transcript-rebuilt; emitter-appended) ---
"""Pipeline reference for scband-delta-86045374808590 (READ-ONLY COPY).

The authoritative reference and input builder live on the scoring server;
editing this copy changes nothing except your own understanding.
"""

import jax, jax.numpy as jnp
import numpy as np

N_NODES = 10000
N_SUB = 10000
E = 160000
D = 256
H = 8
DH = D // H
NUM_REL = 16
BETA = 0.5


def setup_inputs(seed: int = 0) -> dict:
    key = jax.random.key(seed)
    ks = jax.random.split(key, 16)
    s = 1.0 / np.sqrt(D)
    inp = {}
    inp["n_id"] = jax.random.randint(ks[0], (N_SUB,), 0, N_NODES)
    inp["edge_index"] = jax.random.randint(ks[1], (2, E), 0, N_SUB)
    inp["edge_type"] = jax.random.randint(ks[2], (E,), 0, NUM_REL)
    inp["delta_t"] = jax.random.uniform(ks[3], (E,), dtype=jnp.float32) * 100.0
    inp["x_embed"] = jax.random.normal(ks[4], (N_NODES, D), dtype=jnp.float32) * s
    inp["rel_embed"] = jax.random.normal(ks[5], (NUM_REL, D), dtype=jnp.float32) * s
    inp["edge_attr_lookup"] = jax.random.normal(ks[6], (NUM_REL, D), dtype=jnp.float32) * s
    inp["time_basis_freq"] = jax.random.normal(ks[7], (D,), dtype=jnp.float32) * s
    inp["time_phase"] = jnp.zeros((D,), dtype=jnp.float32)
    inp["Wq"] = jax.random.normal(ks[8], (D, D), dtype=jnp.float32) * s
    inp["Wk"] = jax.random.normal(ks[9], (D, D), dtype=jnp.float32) * s
    inp["Wv"] = jax.random.normal(ks[10], (D, D), dtype=jnp.float32) * s
    inp["Wskip"] = jax.random.normal(ks[11], (D, D), dtype=jnp.float32) * s
    inp["bn_gamma"] = jnp.ones((D,), dtype=jnp.float32)
    inp["bn_beta"] = jnp.zeros((D,), dtype=jnp.float32)
    return inp


def reference(n_id, edge_index, edge_type, delta_t, x_embed, rel_embed,
              edge_attr_lookup, time_basis_freq, time_phase,
              Wq, Wk, Wv, Wskip, bn_gamma, bn_beta):
    # x = x_embed.index_select(0, n_id)
    x = jnp.take(x_embed, n_id, axis=0)                      # [N_SUB, D]
    src = edge_index[0]
    dst = edge_index[1]
    # ContinuousTimeEncoder: cos(t * w + b)
    te = jnp.cos(delta_t[:, None] * time_basis_freq[None, :] + time_phase[None, :])  # [E, D]
    # edge type / attr embeddings (with_edge_feature=False path)
    et = jnp.take(rel_embed, edge_type, axis=0)              # [E, D]
    ea = jnp.take(edge_attr_lookup, edge_type, axis=0)       # [E, D]
    x_target = x
    # DeltaConv: transformer-style multi-head attention over edges with
    # additive edge/time/type fusion (trans_method='add')
    q_all = (x_target @ Wq).reshape(N_SUB, H, DH)
    q = jnp.take(q_all, dst, axis=0)                         # [E, H, DH]
    msg = jnp.take(x, src, axis=0) + ea + te + et            # [E, D]
    k = (msg @ Wk).reshape(E, H, DH)
    v = (msg @ Wv).reshape(E, H, DH)
    logits = (q * k).sum(-1) / jnp.sqrt(DH)                  # [E, H]
    seg_max = jax.ops.segment_max(logits, dst, num_segments=N_SUB)
    seg_max = jnp.where(jnp.isfinite(seg_max), seg_max, 0.0)
    ex = jnp.exp(logits - jnp.take(seg_max, dst, axis=0))
    denom = jax.ops.segment_sum(ex, dst, num_segments=N_SUB) + 1e-16
    alpha = ex / jnp.take(denom, dst, axis=0)                # [E, H]
    agg = jax.ops.segment_sum(alpha[:, :, None] * v, dst, num_segments=N_SUB)
    agg = agg.reshape(N_SUB, D)
    # residual fusion (residual_beta=0.5, learn_beta=False)
    skip = x_target @ Wskip
    out = BETA * skip + (1.0 - BETA) * agg
    # BatchNorm1d (training-mode batch statistics)
    mu = out.mean(axis=0)
    var = out.var(axis=0)
    out = (out - mu) / jnp.sqrt(var + 1e-5) * bn_gamma + bn_beta
    # activation: ELU
    out = jax.nn.elu(out)
    return out

if __name__ == "__main__":
    import jax
    _d = setup_inputs()
    print(jax.jit(kernel)(*tuple(_d.values())))

</pallas_src>

<mosaic_0001>
#map = affine_map<(d0, d1) -> (0)>
#map1 = affine_map<(d0, d1) -> (0, 0)>
module attributes {stable_mosaic.version = 14 : i64} {
  func.func @_scatter_body(%arg0: i32, %arg1: i32, %arg2: memref<160000xi32, #tpu.memory_space<hbm>>, %arg3: memref<160000x256xf32, #tpu.memory_space<hbm>>, %arg4: memref<128x128xf32, #tpu.memory_space<hbm>>, %arg5: memref<10000x256xf32, #tpu.memory_space<hbm>>, %arg6: memref<128xi32, #tpu.memory_space<vmem>>, %arg7: memref<128x128xf32, #tpu.memory_space<vmem>>, %arg8: memref<10000x128xf32, #tpu.memory_space<vmem_shared>>) attributes {dimension_semantics = [#tpu.dimension_semantics<core_parallel>, #tpu.dimension_semantics<subcore_parallel>], iteration_bounds = array<i64: 2, 16>, scalar_prefetch = 0 : i64, scratch_operands = 3 : i64, tpu.core_type = #tpu.core_type<sc_vector_subcore>, window_params = [{transform_indices = #map}, {transform_indices = #map1}, {transform_indices = #map1}, {transform_indices = #map1}]} {
    "tpu.region"() ({
      %run_scoped3A = tpu.sem_alloc : memref<!tpu.dma_semaphore, #tpu.memory_space<semaphore_mem>>
      tpu.enqueue_dma source(%arg4 : memref<128x128xf32, #tpu.memory_space<hbm>>) target(%arg7 : memref<128x128xf32, #tpu.memory_space<vmem>>) target_semaphore(%run_scoped3A : memref<!tpu.dma_semaphore, #tpu.memory_space<semaphore_mem>>)
      tpu.wait_dma2 semaphore(%run_scoped3A : memref<!tpu.dma_semaphore, #tpu.memory_space<semaphore_mem>>) src(%arg4 : memref<128x128xf32, #tpu.memory_space<hbm>>) dst(%arg7 : memref<128x128xf32, #tpu.memory_space<vmem>>)
      tpu.yield
    }) : () -> ()
    %scan3A = arith.constant 0 : i32
    %scan3A_0 = arith.constant 0 : i32
    %scan3A_1 = arith.constant 5 : i32
    %scan3A_2 = arith.addi %scan3A_0, %scan3A_1 : i32
    %scan3A_3 = arith.constant 1 : i32
    scf.for %scan3A_25 = %scan3A_0 to %scan3A_2 step %scan3A_3  : i32 {
      %mul3A = arith.constant 16 : i32
      %mul3A_26 = arith.muli %mul3A, %scan3A_25 : i32
      %add3A = arith.addi %arg1, %mul3A_26 : i32
      %lt3A = arith.constant 78 : i32
      %lt3A_27 = arith.cmpi slt, %add3A, %lt3A : i32
      %convert_element_type3A_28 = arith.extui %lt3A_27 : i1 to i32
      %cond3A_29 = arith.constant 0 : i32
      %cond3A_30 = arith.cmpi ne, %convert_element_type3A_28, %cond3A_29 : i32
      scf.if %cond3A_30 {
        %mul3A_31 = arith.constant 128 : i32
        %mul3A_32 = arith.muli %add3A, %mul3A_31 : i32
        "tpu.region"() ({
          %run_scoped3A = tpu.sem_alloc : memref<!tpu.dma_semaphore, #tpu.memory_space<semaphore_mem>>
          %dma_start3A = arith.constant 0 : i32
          %dma_start3A_33 = tpu.memref_slice %arg8[%mul3A_32, %dma_start3A] : memref<10000x128xf32, #tpu.memory_space<vmem_shared>> -> memref<128x128xf32, #tpu.memory_space<vmem_shared>>
          %dma_start3A_34 = arith.constant 0 : i32
          %dma_start3A_35 = tpu.memref_slice %arg8[%mul3A_32, %dma_start3A_34] : memref<10000x128xf32, #tpu.memory_space<vmem_shared>> -> memref<128x128xf32, #tpu.memory_space<vmem_shared>>
          tpu.enqueue_dma source(%arg7 : memref<128x128xf32, #tpu.memory_space<vmem>>) target(%dma_start3A_35 : memref<128x128xf32, #tpu.memory_space<vmem_shared>>) target_semaphore(%run_scoped3A : memref<!tpu.dma_semaphore, #tpu.memory_space<semaphore_mem>>)
          %dma_wait3A = arith.constant 0 : i32
          %dma_wait3A_36 = tpu.memref_slice %arg8[%mul3A_32, %dma_wait3A] : memref<10000x128xf32, #tpu.memory_space<vmem_shared>> -> memref<128x128xf32, #tpu.memory_space<vmem_shared>>
          %dma_wait3A_37 = arith.constant 0 : i32
          %dma_wait3A_38 = tpu.memref_slice %arg8[%mul3A_32, %dma_wait3A_37] : memref<10000x128xf32, #tpu.memory_space<vmem_shared>> -> memref<128x128xf32, #tpu.memory_space<vmem_shared>>
          tpu.wait_dma2 semaphore(%run_scoped3A : memref<!tpu.dma_semaphore, #tpu.memory_space<semaphore_mem>>) src(%arg7 : memref<128x128xf32, #tpu.memory_space<vmem>>) dst(%dma_wait3A_38 : memref<128x128xf32, #tpu.memory_space<vmem_shared>>)
          tpu.yield
        }) : () -> ()
      } else {
      }
    }
    %scan3A_4 = arith.constant 5 : i32
    %eq3A = arith.constant 15 : i32
    %eq3A_5 = arith.cmpi eq, %arg1, %eq3A : i32
    %convert_element_type3A = arith.extui %eq3A_5 : i1 to i32
    %cond3A = arith.constant 0 : i32
    %cond3A_6 = arith.cmpi ne, %convert_element_type3A, %cond3A : i32
    scf.if %cond3A_6 {
      "tpu.region"() ({
        %run_scoped3A = tpu.sem_alloc : memref<!tpu.dma_semaphore, #tpu.memory_space<semaphore_mem>>
        %dma_start3A = arith.constant 0 : i32
        %dma_start3A_25 = arith.constant 0 : i32
        %dma_start3A_26 = tpu.memref_slice %arg7[%dma_start3A, %dma_start3A_25] : memref<128x128xf32, #tpu.memory_space<vmem>> -> memref<16x128xf32, #tpu.memory_space<vmem>>
        %dma_start3A_27 = arith.constant 9984 : i32
        %dma_start3A_28 = arith.constant 0 : i32
        %dma_start3A_29 = tpu.memref_slice %arg8[%dma_start3A_27, %dma_start3A_28] : memref<10000x128xf32, #tpu.memory_space<vmem_shared>> -> memref<16x128xf32, #tpu.memory_space<vmem_shared>>
        %dma_start3A_30 = arith.constant 9984 : i32
        %dma_start3A_31 = arith.constant 0 : i32
        %dma_start3A_32 = tpu.memref_slice %arg8[%dma_start3A_30, %dma_start3A_31] : memref<10000x128xf32, #tpu.memory_space<vmem_shared>> -> memref<16x128xf32, #tpu.memory_space<vmem_shared>>
        %dma_start3A_33 = arith.constant 0 : i32
        %dma_start3A_34 = arith.constant 0 : i32
        %dma_start3A_35 = tpu.memref_slice %arg7[%dma_start3A_33, %dma_start3A_34] : memref<128x128xf32, #tpu.memory_space<vmem>> -> memref<16x128xf32, #tpu.memory_space<vmem>>
        tpu.enqueue_dma source(%dma_start3A_35 : memref<16x128xf32, #tpu.memory_space<vmem>>) target(%dma_start3A_32 : memref<16x128xf32, #tpu.memory_space<vmem_shared>>) target_semaphore(%run_scoped3A : memref<!tpu.dma_semaphore, #tpu.memory_space<semaphore_mem>>)
        %dma_wait3A = arith.constant 0 : i32
        %dma_wait3A_36 = arith.constant 0 : i32
        %dma_wait3A_37 = tpu.memref_slice %arg7[%dma_wait3A, %dma_wait3A_36] : memref<128x128xf32, #tpu.memory_space<vmem>> -> memref<16x128xf32, #tpu.memory_space<vmem>>
        %dma_wait3A_38 = arith.constant 9984 : i32
        %dma_wait3A_39 = arith.constant 0 : i32
        %dma_wait3A_40 = tpu.memref_slice %arg8[%dma_wait3A_38, %dma_wait3A_39] : memref<10000x128xf32, #tpu.memory_space<vmem_shared>> -> memref<16x128xf32, #tpu.memory_space<vmem_shared>>
        %dma_wait3A_41 = arith.constant 9984 : i32
        %dma_wait3A_42 = arith.constant 0 : i32
        %dma_wait3A_43 = tpu.memref_slice %arg8[%dma_wait3A_41, %dma_wait3A_42] : memref<10000x128xf32, #tpu.memory_space<vmem_shared>> -> memref<16x128xf32, #tpu.memory_space<vmem_shared>>
        %dma_wait3A_44 = arith.constant 0 : i32
        %dma_wait3A_45 = arith.constant 0 : i32
        %dma_wait3A_46 = tpu.memref_slice %arg7[%dma_wait3A_44, %dma_wait3A_45] : memref<128x128xf32, #tpu.memory_space<vmem>> -> memref<16x128xf32, #tpu.memory_space<vmem>>
        tpu.wait_dma2 semaphore(%run_scoped3A : memref<!tpu.dma_semaphore, #tpu.memory_space<semaphore_mem>>) src(%dma_wait3A_46 : memref<16x128xf32, #tpu.memory_space<vmem>>) dst(%dma_wait3A_43 : memref<16x128xf32, #tpu.memory_space<vmem_shared>>)
        tpu.yield
      }) : () -> ()
    } else {
    }
    %barrier3A = arith.constant 0 : index
    tpu.barrier barrier_id(%barrier3A)
    %scan3A_7 = arith.constant 0 : i32
    %scan3A_8 = arith.constant 0 : i32
    %scan3A_9 = arith.constant 79 : i32
    %scan3A_10 = arith.addi %scan3A_8, %scan3A_9 : i32
    %scan3A_11 = arith.constant 1 : i32
    scf.for %scan3A_25 = %scan3A_8 to %scan3A_10 step %scan3A_11  : i32 {
      %mul3A = arith.constant 16 : i32
      %mul3A_26 = arith.muli %mul3A, %scan3A_25 : i32
      %add3A = arith.addi %arg1, %mul3A_26 : i32
      %lt3A = arith.constant 1250 : i32
      %lt3A_27 = arith.cmpi slt, %add3A, %lt3A : i32
      %convert_element_type3A_28 = arith.extui %lt3A_27 : i1 to i32
      %cond3A_29 = arith.constant 0 : i32
      %cond3A_30 = arith.cmpi ne, %convert_element_type3A_28, %cond3A_29 : i32
      scf.if %cond3A_30 {
        %mul3A_31 = arith.constant 128 : i32
        %mul3A_32 = arith.muli %add3A, %mul3A_31 : i32
        "tpu.region"() ({
          %run_scoped3A = tpu.sem_alloc : memref<!tpu.dma_semaphore, #tpu.memory_space<semaphore_mem>>
          %dma_start3A = tpu.memref_slice %arg2[%mul3A_32] : memref<160000xi32, #tpu.memory_space<hbm>> -> memref<128xi32, #tpu.memory_space<hbm>>
          %dma_start3A_35 = tpu.memref_slice %arg2[%mul3A_32] : memref<160000xi32, #tpu.memory_space<hbm>> -> memref<128xi32, #tpu.memory_space<hbm>>
          tpu.enqueue_dma source(%dma_start3A_35 : memref<128xi32, #tpu.memory_space<hbm>>) target(%arg6 : memref<128xi32, #tpu.memory_space<vmem>>) target_semaphore(%run_scoped3A : memref<!tpu.dma_semaphore, #tpu.memory_space<semaphore_mem>>)
          %dma_wait3A = tpu.memref_slice %arg2[%mul3A_32] : memref<160000xi32, #tpu.memory_space<hbm>> -> memref<128xi32, #tpu.memory_space<hbm>>
          %dma_wait3A_36 = tpu.memref_slice %arg2[%mul3A_32] : memref<160000xi32, #tpu.memory_space<hbm>> -> memref<128xi32, #tpu.memory_space<hbm>>
          tpu.wait_dma2 semaphore(%run_scoped3A : memref<!tpu.dma_semaphore, #tpu.memory_space<semaphore_mem>>) src(%dma_wait3A_36 : memref<128xi32, #tpu.memory_space<hbm>>) dst(%arg6 : memref<128xi32, #tpu.memory_space<vmem>>)
          tpu.yield
        }) : () -> ()
        %mul3A_33 = arith.constant 128 : i32
        %mul3A_34 = arith.muli %arg0, %mul3A_33 : i32
        "tpu.region"() ({
          %run_scoped3A = tpu.sem_alloc : memref<!tpu.dma_semaphore, #tpu.memory_space<semaphore_mem>>
          %dma_start3A = tpu.memref_slice %arg3[%mul3A_32, %mul3A_34] : memref<160000x256xf32, #tpu.memory_space<hbm>> -> memref<128x128xf32, #tpu.memory_space<hbm>>
          %dma_start3A_35 = tpu.memref_slice %arg3[%mul3A_32, %mul3A_34] : memref<160000x256xf32, #tpu.memory_space<hbm>> -> memref<128x128xf32, #tpu.memory_space<hbm>>
          tpu.enqueue_dma source(%dma_start3A_35 : memref<128x128xf32, #tpu.memory_space<hbm>>) target(%arg7 : memref<128x128xf32, #tpu.memory_space<vmem>>) target_semaphore(%run_scoped3A : memref<!tpu.dma_semaphore, #tpu.memory_space<semaphore_mem>>)
          %dma_wait3A = tpu.memref_slice %arg3[%mul3A_32, %mul3A_34] : memref<160000x256xf32, #tpu.memory_space<hbm>> -> memref<128x128xf32, #tpu.memory_space<hbm>>
          %dma_wait3A_36 = tpu.memref_slice %arg3[%mul3A_32, %mul3A_34] : memref<160000x256xf32, #tpu.memory_space<hbm>> -> memref<128x128xf32, #tpu.memory_space<hbm>>
          tpu.wait_dma2 semaphore(%run_scoped3A : memref<!tpu.dma_semaphore, #tpu.memory_space<semaphore_mem>>) src(%dma_wait3A_36 : memref<128x128xf32, #tpu.memory_space<hbm>>) dst(%arg7 : memref<128x128xf32, #tpu.memory_space<vmem>>)
          tpu.yield
        }) : () -> ()
        "tpu.region"() ({
          %run_scoped3A = tpu.sem_alloc : memref<!tpu.dma_semaphore, #tpu.memory_space<semaphore_mem>>
          %dma_start3A = arith.constant 0 : i32
          %dma_start3A_35 = arith.constant 0 : i32
          %dma_start3A_36 = tpu.memref_slice %arg8[%dma_start3A, %dma_start3A_35] : memref<10000x128xf32, #tpu.memory_space<vmem_shared>> -> memref<10000x128xf32, #tpu.memory_space<vmem_shared>>
          tpu.enqueue_indirect_dma source(%arg7 : memref<128x128xf32, #tpu.memory_space<vmem>>) target(%dma_start3A_36 : memref<10000x128xf32, #tpu.memory_space<vmem_shared>>) offsets(%arg6 : memref<128xi32, #tpu.memory_space<vmem>>) semaphore(%run_scoped3A : memref<!tpu.dma_semaphore, #tpu.memory_space<semaphore_mem>>) {add = true}
          %dma_wait3A = arith.constant 0 : i32
          %dma_wait3A_37 = arith.constant 0 : i32
          %dma_wait3A_38 = tpu.memref_slice %arg8[%dma_wait3A, %dma_wait3A_37] : memref<10000x128xf32, #tpu.memory_space<vmem_shared>> -> memref<10000x128xf32, #tpu.memory_space<vmem_shared>>
          tpu.wait_indirect_dma semaphore(%run_scoped3A : memref<!tpu.dma_semaphore, #tpu.memory_space<semaphore_mem>>) src(%arg7 : memref<128x128xf32, #tpu.memory_space<vmem>>) dst(%dma_wait3A_38 : memref<10000x128xf32, #tpu.memory_space<vmem_shared>>)
          tpu.yield
        }) : () -> ()
      } else {
      }
    }
    %scan3A_12 = arith.constant 79 : i32
    %barrier3A_13 = arith.constant 0 : index
    tpu.barrier barrier_id(%barrier3A_13)
    %scan3A_14 = arith.constant 0 : i32
    %scan3A_15 = arith.constant 0 : i32
    %scan3A_16 = arith.constant 5 : i32
    %scan3A_17 = arith.addi %scan3A_15, %scan3A_16 : i32
    %scan3A_18 = arith.constant 1 : i32
    scf.for %scan3A_25 = %scan3A_15 to %scan3A_17 step %scan3A_18  : i32 {
      %mul3A = arith.constant 16 : i32
      %mul3A_26 = arith.muli %mul3A, %scan3A_25 : i32
      %add3A = arith.addi %arg1, %mul3A_26 : i32
      %lt3A = arith.constant 78 : i32
      %lt3A_27 = arith.cmpi slt, %add3A, %lt3A : i32
      %convert_element_type3A_28 = arith.extui %lt3A_27 : i1 to i32
      %cond3A_29 = arith.constant 0 : i32
      %cond3A_30 = arith.cmpi ne, %convert_element_type3A_28, %cond3A_29 : i32
      scf.if %cond3A_30 {
        %mul3A_31 = arith.constant 128 : i32
        %mul3A_32 = arith.muli %add3A, %mul3A_31 : i32
        "tpu.region"() ({
          %run_scoped3A = tpu.sem_alloc : memref<!tpu.dma_semaphore, #tpu.memory_space<semaphore_mem>>
          %dma_start3A = arith.constant 0 : i32
          %dma_start3A_35 = tpu.memref_slice %arg8[%mul3A_32, %dma_start3A] : memref<10000x128xf32, #tpu.memory_space<vmem_shared>> -> memref<128x128xf32, #tpu.memory_space<vmem_shared>>
          %dma_start3A_36 = arith.constant 0 : i32
          %dma_start3A_37 = tpu.memref_slice %arg8[%mul3A_32, %dma_start3A_36] : memref<10000x128xf32, #tpu.memory_space<vmem_shared>> -> memref<128x128xf32, #tpu.memory_space<vmem_shared>>
          tpu.enqueue_dma source(%dma_start3A_37 : memref<128x128xf32, #tpu.memory_space<vmem_shared>>) target(%arg7 : memref<128x128xf32, #tpu.memory_space<vmem>>) target_semaphore(%run_scoped3A : memref<!tpu.dma_semaphore, #tpu.memory_space<semaphore_mem>>)
          %dma_wait3A = arith.constant 0 : i32
          %dma_wait3A_38 = tpu.memref_slice %arg8[%mul3A_32, %dma_wait3A] : memref<10000x128xf32, #tpu.memory_space<vmem_shared>> -> memref<128x128xf32, #tpu.memory_space<vmem_shared>>
          %dma_wait3A_39 = arith.constant 0 : i32
          %dma_wait3A_40 = tpu.memref_slice %arg8[%mul3A_32, %dma_wait3A_39] : memref<10000x128xf32, #tpu.memory_space<vmem_shared>> -> memref<128x128xf32, #tpu.memory_space<vmem_shared>>
          tpu.wait_dma2 semaphore(%run_scoped3A : memref<!tpu.dma_semaphore, #tpu.memory_space<semaphore_mem>>) src(%dma_wait3A_40 : memref<128x128xf32, #tpu.memory_space<vmem_shared>>) dst(%arg7 : memref<128x128xf32, #tpu.memory_space<vmem>>)
          tpu.yield
        }) : () -> ()
        %mul3A_33 = arith.constant 128 : i32
        %mul3A_34 = arith.muli %arg0, %mul3A_33 : i32
        "tpu.region"() ({
          %run_scoped3A = tpu.sem_alloc : memref<!tpu.dma_semaphore, #tpu.memory_space<semaphore_mem>>
          %dma_start3A = tpu.memref_slice %arg5[%mul3A_32, %mul3A_34] : memref<10000x256xf32, #tpu.memory_space<hbm>> -> memref<128x128xf32, #tpu.memory_space<hbm>>
          %dma_start3A_35 = tpu.memref_slice %arg5[%mul3A_32, %mul3A_34] : memref<10000x256xf32, #tpu.memory_space<hbm>> -> memref<128x128xf32, #tpu.memory_space<hbm>>
          tpu.enqueue_dma source(%arg7 : memref<128x128xf32, #tpu.memory_space<vmem>>) target(%dma_start3A_35 : memref<128x128xf32, #tpu.memory_space<hbm>>) target_semaphore(%run_scoped3A : memref<!tpu.dma_semaphore, #tpu.memory_space<semaphore_mem>>)
          %dma_wait3A = tpu.memref_slice %arg5[%mul3A_32, %mul3A_34] : memref<10000x256xf32, #tpu.memory_space<hbm>> -> memref<128x128xf32, #tpu.memory_space<hbm>>
          %dma_wait3A_36 = tpu.memref_slice %arg5[%mul3A_32, %mul3A_34] : memref<10000x256xf32, #tpu.memory_space<hbm>> -> memref<128x128xf32, #tpu.memory_space<hbm>>
          tpu.wait_dma2 semaphore(%run_scoped3A : memref<!tpu.dma_semaphore, #tpu.memory_space<semaphore_mem>>) src(%arg7 : memref<128x128xf32, #tpu.memory_space<vmem>>) dst(%dma_wait3A_36 : memref<128x128xf32, #tpu.memory_space<hbm>>)
          tpu.yield
        }) : () -> ()
      } else {
      }
    }
    %scan3A_19 = arith.constant 5 : i32
    %eq3A_20 = arith.constant 15 : i32
    %eq3A_21 = arith.cmpi eq, %arg1, %eq3A_20 : i32
    %convert_element_type3A_22 = arith.extui %eq3A_21 : i1 to i32
    %cond3A_23 = arith.constant 0 : i32
    %cond3A_24 = arith.cmpi ne, %convert_element_type3A_22, %cond3A_23 : i32
    scf.if %cond3A_24 {
      "tpu.region"() ({
        %run_scoped3A = tpu.sem_alloc : memref<!tpu.dma_semaphore, #tpu.memory_space<semaphore_mem>>
        %dma_start3A = arith.constant 0 : i32
        %dma_start3A_26 = arith.constant 0 : i32
        %dma_start3A_27 = tpu.memref_slice %arg7[%dma_start3A, %dma_start3A_26] : memref<128x128xf32, #tpu.memory_space<vmem>> -> memref<16x128xf32, #tpu.memory_space<vmem>>
        %dma_start3A_28 = arith.constant 9984 : i32
        %dma_start3A_29 = arith.constant 0 : i32
        %dma_start3A_30 = tpu.memref_slice %arg8[%dma_start3A_28, %dma_start3A_29] : memref<10000x128xf32, #tpu.memory_space<vmem_shared>> -> memref<16x128xf32, #tpu.memory_space<vmem_shared>>
        %dma_start3A_31 = arith.constant 0 : i32
        %dma_start3A_32 = arith.constant 0 : i32
        %dma_start3A_33 = tpu.memref_slice %arg7[%dma_start3A_31, %dma_start3A_32] : memref<128x128xf32, #tpu.memory_space<vmem>> -> memref<16x128xf32, #tpu.memory_space<vmem>>
        %dma_start3A_34 = arith.constant 9984 : i32
        %dma_start3A_35 = arith.constant 0 : i32
        %dma_start3A_36 = tpu.memref_slice %arg8[%dma_start3A_34, %dma_start3A_35] : memref<10000x128xf32, #tpu.memory_space<vmem_shared>> -> memref<16x128xf32, #tpu.memory_space<vmem_shared>>
        tpu.enqueue_dma source(%dma_start3A_36 : memref<16x128xf32, #tpu.memory_space<vmem_shared>>) target(%dma_start3A_33 : memref<16x128xf32, #tpu.memory_space<vmem>>) target_semaphore(%run_scoped3A : memref<!tpu.dma_semaphore, #tpu.memory_space<semaphore_mem>>)
        %dma_wait3A = arith.constant 0 : i32
        %dma_wait3A_37 = arith.constant 0 : i32
        %dma_wait3A_38 = tpu.memref_slice %arg7[%dma_wait3A, %dma_wait3A_37] : memref<128x128xf32, #tpu.memory_space<vmem>> -> memref<16x128xf32, #tpu.memory_space<vmem>>
        %dma_wait3A_39 = arith.constant 9984 : i32
        %dma_wait3A_40 = arith.constant 0 : i32
        %dma_wait3A_41 = tpu.memref_slice %arg8[%dma_wait3A_39, %dma_wait3A_40] : memref<10000x128xf32, #tpu.memory_space<vmem_shared>> -> memref<16x128xf32, #tpu.memory_space<vmem_shared>>
        %dma_wait3A_42 = arith.constant 0 : i32
        %dma_wait3A_43 = arith.constant 0 : i32
        %dma_wait3A_44 = tpu.memref_slice %arg7[%dma_wait3A_42, %dma_wait3A_43] : memref<128x128xf32, #tpu.memory_space<vmem>> -> memref<16x128xf32, #tpu.memory_space<vmem>>
        %dma_wait3A_45 = arith.constant 9984 : i32
        %dma_wait3A_46 = arith.constant 0 : i32
        %dma_wait3A_47 = tpu.memref_slice %arg8[%dma_wait3A_45, %dma_wait3A_46] : memref<10000x128xf32, #tpu.memory_space<vmem_shared>> -> memref<16x128xf32, #tpu.memory_space<vmem_shared>>
        tpu.wait_dma2 semaphore(%run_scoped3A : memref<!tpu.dma_semaphore, #tpu.memory_space<semaphore_mem>>) src(%dma_wait3A_47 : memref<16x128xf32, #tpu.memory_space<vmem_shared>>) dst(%dma_wait3A_44 : memref<16x128xf32, #tpu.memory_space<vmem>>)
        tpu.yield
      }) : () -> ()
      %mul3A = arith.constant 128 : i32
      %mul3A_25 = arith.muli %arg0, %mul3A : i32
      "tpu.region"() ({
        %run_scoped3A = tpu.sem_alloc : memref<!tpu.dma_semaphore, #tpu.memory_space<semaphore_mem>>
        %dma_start3A = arith.constant 0 : i32
        %dma_start3A_26 = arith.constant 0 : i32
        %dma_start3A_27 = tpu.memref_slice %arg7[%dma_start3A, %dma_start3A_26] : memref<128x128xf32, #tpu.memory_space<vmem>> -> memref<16x128xf32, #tpu.memory_space<vmem>>
        %dma_start3A_28 = arith.constant 9984 : i32
        %dma_start3A_29 = tpu.memref_slice %arg5[%dma_start3A_28, %mul3A_25] : memref<10000x256xf32, #tpu.memory_space<hbm>> -> memref<16x128xf32, #tpu.memory_space<hbm>>
        %dma_start3A_30 = arith.constant 9984 : i32
        %dma_start3A_31 = tpu.memref_slice %arg5[%dma_start3A_30, %mul3A_25] : memref<10000x256xf32, #tpu.memory_space<hbm>> -> memref<16x128xf32, #tpu.memory_space<hbm>>
        %dma_start3A_32 = arith.constant 0 : i32
        %dma_start3A_33 = arith.constant 0 : i32
        %dma_start3A_34 = tpu.memref_slice %arg7[%dma_start3A_32, %dma_start3A_33] : memref<128x128xf32, #tpu.memory_space<vmem>> -> memref<16x128xf32, #tpu.memory_space<vmem>>
        tpu.enqueue_dma source(%dma_start3A_34 : memref<16x128xf32, #tpu.memory_space<vmem>>) target(%dma_start3A_31 : memref<16x128xf32, #tpu.memory_space<hbm>>) target_semaphore(%run_scoped3A : memref<!tpu.dma_semaphore, #tpu.memory_space<semaphore_mem>>)
        %dma_wait3A = arith.constant 0 : i32
        %dma_wait3A_35 = arith.constant 0 : i32
        %dma_wait3A_36 = tpu.memref_slice %arg7[%dma_wait3A, %dma_wait3A_35] : memref<128x128xf32, #tpu.memory_space<vmem>> -> memref<16x128xf32, #tpu.memory_space<vmem>>
        %dma_wait3A_37 = arith.constant 9984 : i32
        %dma_wait3A_38 = tpu.memref_slice %arg5[%dma_wait3A_37, %mul3A_25] : memref<10000x256xf32, #tpu.memory_space<hbm>> -> memref<16x128xf32, #tpu.memory_space<hbm>>
        %dma_wait3A_39 = arith.constant 9984 : i32
        %dma_wait3A_40 = tpu.memref_slice %arg5[%dma_wait3A_39, %mul3A_25] : memref<10000x256xf32, #tpu.memory_space<hbm>> -> memref<16x128xf32, #tpu.memory_space<hbm>>
        %dma_wait3A_41 = arith.constant 0 : i32
        %dma_wait3A_42 = arith.constant 0 : i32
        %dma_wait3A_43 = tpu.memref_slice %arg7[%dma_wait3A_41, %dma_wait3A_42] : memref<128x128xf32, #tpu.memory_space<vmem>> -> memref<16x128xf32, #tpu.memory_space<vmem>>
        tpu.wait_dma2 semaphore(%run_scoped3A : memref<!tpu.dma_semaphore, #tpu.memory_space<semaphore_mem>>) src(%dma_wait3A_43 : memref<16x128xf32, #tpu.memory_space<vmem>>) dst(%dma_wait3A_40 : memref<16x128xf32, #tpu.memory_space<hbm>>)
        tpu.yield
      }) : () -> ()
    } else {
    }
    return
  }
}

#map = affine_map<(d0, d1) -> (0)>
#map1 = affine_map<(d0, d1) -> (0, 0)>
module attributes {stable_mosaic.version = 14 : i64} {
  func.func @_den_body(%arg0: i32, %arg1: i32, %arg2: memref<160000xi32, #tpu.memory_space<hbm>>, %arg3: memref<160000x128xf32, #tpu.memory_space<hbm>>, %arg4: memref<128x128xf32, #tpu.memory_space<hbm>>, %arg5: memref<20000x128xf32, #tpu.memory_space<hbm>>, %arg6: memref<128xi32, #tpu.memory_space<vmem>>, %arg7: memref<128x128xf32, #tpu.memory_space<vmem>>, %arg8: memref<10000x128xf32, #tpu.memory_space<vmem_shared>>) attributes {dimension_semantics = [#tpu.dimension_semantics<core_parallel>, #tpu.dimension_semantics<subcore_parallel>], iteration_bounds = array<i64: 2, 16>, scalar_prefetch = 0 : i64, scratch_operands = 3 : i64, tpu.core_type = #tpu.core_type<sc_vector_subcore>, window_params = [{transform_indices = #map}, {transform_indices = #map1}, {transform_indices = #map1}, {transform_indices = #map1}]} {
    %mul3A = arith.constant 2 : i32
    %mul3A_0 = arith.muli %arg1, %mul3A : i32
    %add3A = arith.addi %mul3A_0, %arg0 : i32
    "tpu.region"() ({
      %run_scoped3A = tpu.sem_alloc : memref<!tpu.dma_semaphore, #tpu.memory_space<semaphore_mem>>
      tpu.enqueue_dma source(%arg4 : memref<128x128xf32, #tpu.memory_space<hbm>>) target(%arg7 : memref<128x128xf32, #tpu.memory_space<vmem>>) target_semaphore(%run_scoped3A : memref<!tpu.dma_semaphore, #tpu.memory_space<semaphore_mem>>)
      tpu.wait_dma2 semaphore(%run_scoped3A : memref<!tpu.dma_semaphore, #tpu.memory_space<semaphore_mem>>) src(%arg4 : memref<128x128xf32, #tpu.memory_space<hbm>>) dst(%arg7 : memref<128x128xf32, #tpu.memory_space<vmem>>)
      tpu.yield
    }) : () -> ()
    %scan3A = arith.constant 0 : i32
    %scan3A_1 = arith.constant 0 : i32
    %scan3A_2 = arith.constant 5 : i32
    %scan3A_3 = arith.addi %scan3A_1, %scan3A_2 : i32
    %scan3A_4 = arith.constant 1 : i32
    scf.for %scan3A_26 = %scan3A_1 to %scan3A_3 step %scan3A_4  : i32 {
      %mul3A_27 = arith.constant 16 : i32
      %mul3A_28 = arith.muli %mul3A_27, %scan3A_26 : i32
      %add3A_29 = arith.addi %arg1, %mul3A_28 : i32
      %lt3A = arith.constant 78 : i32
      %lt3A_30 = arith.cmpi slt, %add3A_29, %lt3A : i32
      %convert_element_type3A_31 = arith.extui %lt3A_30 : i1 to i32
      %cond3A_32 = arith.constant 0 : i32
      %cond3A_33 = arith.cmpi ne, %convert_element_type3A_31, %cond3A_32 : i32
      scf.if %cond3A_33 {
        %mul3A_34 = arith.constant 128 : i32
        %mul3A_35 = arith.muli %add3A_29, %mul3A_34 : i32
        "tpu.region"() ({
          %run_scoped3A = tpu.sem_alloc : memref<!tpu.dma_semaphore, #tpu.memory_space<semaphore_mem>>
          %dma_start3A = arith.constant 0 : i32
          %dma_start3A_36 = tpu.memref_slice %arg8[%mul3A_35, %dma_start3A] : memref<10000x128xf32, #tpu.memory_space<vmem_shared>> -> memref<128x128xf32, #tpu.memory_space<vmem_shared>>
          %dma_start3A_37 = arith.constant 0 : i32
          %dma_start3A_38 = tpu.memref_slice %arg8[%mul3A_35, %dma_start3A_37] : memref<10000x128xf32, #tpu.memory_space<vmem_shared>> -> memref<128x128xf32, #tpu.memory_space<vmem_shared>>
          tpu.enqueue_dma source(%arg7 : memref<128x128xf32, #tpu.memory_space<vmem>>) target(%dma_start3A_38 : memref<128x128xf32, #tpu.memory_space<vmem_shared>>) target_semaphore(%run_scoped3A : memref<!tpu.dma_semaphore, #tpu.memory_space<semaphore_mem>>)
          %dma_wait3A = arith.constant 0 : i32
          %dma_wait3A_39 = tpu.memref_slice %arg8[%mul3A_35, %dma_wait3A] : memref<10000x128xf32, #tpu.memory_space<vmem_shared>> -> memref<128x128xf32, #tpu.memory_space<vmem_shared>>
          %dma_wait3A_40 = arith.constant 0 : i32
          %dma_wait3A_41 = tpu.memref_slice %arg8[%mul3A_35, %dma_wait3A_40] : memref<10000x128xf32, #tpu.memory_space<vmem_shared>> -> memref<128x128xf32, #tpu.memory_space<vmem_shared>>
          tpu.wait_dma2 semaphore(%run_scoped3A : memref<!tpu.dma_semaphore, #tpu.memory_space<semaphore_mem>>) src(%arg7 : memref<128x128xf32, #tpu.memory_space<vmem>>) dst(%dma_wait3A_41 : memref<128x128xf32, #tpu.memory_space<vmem_shared>>)
          tpu.yield
        }) : () -> ()
      } else {
      }
    }
    %scan3A_5 = arith.constant 5 : i32
    %eq3A = arith.constant 15 : i32
    %eq3A_6 = arith.cmpi eq, %arg1, %eq3A : i32
    %convert_element_type3A = arith.extui %eq3A_6 : i1 to i32
    %cond3A = arith.constant 0 : i32
    %cond3A_7 = arith.cmpi ne, %convert_element_type3A, %cond3A : i32
    scf.if %cond3A_7 {
      "tpu.region"() ({
        %run_scoped3A = tpu.sem_alloc : memref<!tpu.dma_semaphore, #tpu.memory_space<semaphore_mem>>
        %dma_start3A = arith.constant 0 : i32
        %dma_start3A_26 = arith.constant 0 : i32
        %dma_start3A_27 = tpu.memref_slice %arg7[%dma_start3A, %dma_start3A_26] : memref<128x128xf32, #tpu.memory_space<vmem>> -> memref<16x128xf32, #tpu.memory_space<vmem>>
        %dma_start3A_28 = arith.constant 9984 : i32
        %dma_start3A_29 = arith.constant 0 : i32
        %dma_start3A_30 = tpu.memref_slice %arg8[%dma_start3A_28, %dma_start3A_29] : memref<10000x128xf32, #tpu.memory_space<vmem_shared>> -> memref<16x128xf32, #tpu.memory_space<vmem_shared>>
        %dma_start3A_31 = arith.constant 9984 : i32
        %dma_start3A_32 = arith.constant 0 : i32
        %dma_start3A_33 = tpu.memref_slice %arg8[%dma_start3A_31, %dma_start3A_32] : memref<10000x128xf32, #tpu.memory_space<vmem_shared>> -> memref<16x128xf32, #tpu.memory_space<vmem_shared>>
        %dma_start3A_34 = arith.constant 0 : i32
        %dma_start3A_35 = arith.constant 0 : i32
        %dma_start3A_36 = tpu.memref_slice %arg7[%dma_start3A_34, %dma_start3A_35] : memref<128x128xf32, #tpu.memory_space<vmem>> -> memref<16x128xf32, #tpu.memory_space<vmem>>
        tpu.enqueue_dma source(%dma_start3A_36 : memref<16x128xf32, #tpu.memory_space<vmem>>) target(%dma_start3A_33 : memref<16x128xf32, #tpu.memory_space<vmem_shared>>) target_semaphore(%run_scoped3A : memref<!tpu.dma_semaphore, #tpu.memory_space<semaphore_mem>>)
        %dma_wait3A = arith.constant 0 : i32
        %dma_wait3A_37 = arith.constant 0 : i32
        %dma_wait3A_38 = tpu.memref_slice %arg7[%dma_wait3A, %dma_wait3A_37] : memref<128x128xf32, #tpu.memory_space<vmem>> -> memref<16x128xf32, #tpu.memory_space<vmem>>
        %dma_wait3A_39 = arith.constant 9984 : i32
        %dma_wait3A_40 = arith.constant 0 : i32
        %dma_wait3A_41 = tpu.memref_slice %arg8[%dma_wait3A_39, %dma_wait3A_40] : memref<10000x128xf32, #tpu.memory_space<vmem_shared>> -> memref<16x128xf32, #tpu.memory_space<vmem_shared>>
        %dma_wait3A_42 = arith.constant 9984 : i32
        %dma_wait3A_43 = arith.constant 0 : i32
        %dma_wait3A_44 = tpu.memref_slice %arg8[%dma_wait3A_42, %dma_wait3A_43] : memref<10000x128xf32, #tpu.memory_space<vmem_shared>> -> memref<16x128xf32, #tpu.memory_space<vmem_shared>>
        %dma_wait3A_45 = arith.constant 0 : i32
        %dma_wait3A_46 = arith.constant 0 : i32
        %dma_wait3A_47 = tpu.memref_slice %arg7[%dma_wait3A_45, %dma_wait3A_46] : memref<128x128xf32, #tpu.memory_space<vmem>> -> memref<16x128xf32, #tpu.memory_space<vmem>>
        tpu.wait_dma2 semaphore(%run_scoped3A : memref<!tpu.dma_semaphore, #tpu.memory_space<semaphore_mem>>) src(%dma_wait3A_47 : memref<16x128xf32, #tpu.memory_space<vmem>>) dst(%dma_wait3A_44 : memref<16x128xf32, #tpu.memory_space<vmem_shared>>)
        tpu.yield
      }) : () -> ()
    } else {
    }
    %barrier3A = arith.constant 0 : index
    tpu.barrier barrier_id(%barrier3A)
    %scan3A_8 = arith.constant 0 : i32
    %scan3A_9 = arith.constant 0 : i32
    %scan3A_10 = arith.constant 40 : i32
    %scan3A_11 = arith.addi %scan3A_9, %scan3A_10 : i32
    %scan3A_12 = arith.constant 1 : i32
    scf.for %scan3A_26 = %scan3A_9 to %scan3A_11 step %scan3A_12  : i32 {
      %mul3A_27 = arith.constant 32 : i32
      %mul3A_28 = arith.muli %mul3A_27, %scan3A_26 : i32
      %add3A_29 = arith.addi %add3A, %mul3A_28 : i32
      %lt3A = arith.constant 1250 : i32
      %lt3A_30 = arith.cmpi slt, %add3A_29, %lt3A : i32
      %convert_element_type3A_31 = arith.extui %lt3A_30 : i1 to i32
      %cond3A_32 = arith.constant 0 : i32
      %cond3A_33 = arith.cmpi ne, %convert_element_type3A_31, %cond3A_32 : i32
      scf.if %cond3A_33 {
        %mul3A_34 = arith.constant 128 : i32
        %mul3A_35 = arith.muli %add3A_29, %mul3A_34 : i32
        "tpu.region"() ({
          %run_scoped3A = tpu.sem_alloc : memref<!tpu.dma_semaphore, #tpu.memory_space<semaphore_mem>>
          %dma_start3A = tpu.memref_slice %arg2[%mul3A_35] : memref<160000xi32, #tpu.memory_space<hbm>> -> memref<128xi32, #tpu.memory_space<hbm>>
          %dma_start3A_36 = tpu.memref_slice %arg2[%mul3A_35] : memref<160000xi32, #tpu.memory_space<hbm>> -> memref<128xi32, #tpu.memory_space<hbm>>
          tpu.enqueue_dma source(%dma_start3A_36 : memref<128xi32, #tpu.memory_space<hbm>>) target(%arg6 : memref<128xi32, #tpu.memory_space<vmem>>) target_semaphore(%run_scoped3A : memref<!tpu.dma_semaphore, #tpu.memory_space<semaphore_mem>>)
          %dma_wait3A = tpu.memref_slice %arg2[%mul3A_35] : memref<160000xi32, #tpu.memory_space<hbm>> -> memref<128xi32, #tpu.memory_space<hbm>>
          %dma_wait3A_37 = tpu.memref_slice %arg2[%mul3A_35] : memref<160000xi32, #tpu.memory_space<hbm>> -> memref<128xi32, #tpu.memory_space<hbm>>
          tpu.wait_dma2 semaphore(%run_scoped3A : memref<!tpu.dma_semaphore, #tpu.memory_space<semaphore_mem>>) src(%dma_wait3A_37 : memref<128xi32, #tpu.memory_space<hbm>>) dst(%arg6 : memref<128xi32, #tpu.memory_space<vmem>>)
          tpu.yield
        }) : () -> ()
        "tpu.region"() ({
          %run_scoped3A = tpu.sem_alloc : memref<!tpu.dma_semaphore, #tpu.memory_space<semaphore_mem>>
          %dma_start3A = arith.constant 0 : i32
          %dma_start3A_36 = tpu.memref_slice %arg3[%mul3A_35, %dma_start3A] : memref<160000x128xf32, #tpu.memory_space<hbm>> -> memref<128x128xf32, #tpu.memory_space<hbm>>
          %dma_start3A_37 = arith.constant 0 : i32
          %dma_start3A_38 = tpu.memref_slice %arg3[%mul3A_35, %dma_start3A_37] : memref<160000x128xf32, #tpu.memory_space<hbm>> -> memref<128x128xf32, #tpu.memory_space<hbm>>
          tpu.enqueue_dma source(%dma_start3A_38 : memref<128x128xf32, #tpu.memory_space<hbm>>) target(%arg7 : memref<128x128xf32, #tpu.memory_space<vmem>>) target_semaphore(%run_scoped3A : memref<!tpu.dma_semaphore, #tpu.memory_space<semaphore_mem>>)
          %dma_wait3A = arith.constant 0 : i32
          %dma_wait3A_39 = tpu.memref_slice %arg3[%mul3A_35, %dma_wait3A] : memref<160000x128xf32, #tpu.memory_space<hbm>> -> memref<128x128xf32, #tpu.memory_space<hbm>>
          %dma_wait3A_40 = arith.constant 0 : i32
          %dma_wait3A_41 = tpu.memref_slice %arg3[%mul3A_35, %dma_wait3A_40] : memref<160000x128xf32, #tpu.memory_space<hbm>> -> memref<128x128xf32, #tpu.memory_space<hbm>>
          tpu.wait_dma2 semaphore(%run_scoped3A : memref<!tpu.dma_semaphore, #tpu.memory_space<semaphore_mem>>) src(%dma_wait3A_41 : memref<128x128xf32, #tpu.memory_space<hbm>>) dst(%arg7 : memref<128x128xf32, #tpu.memory_space<vmem>>)
          tpu.yield
        }) : () -> ()
        "tpu.region"() ({
          %run_scoped3A = tpu.sem_alloc : memref<!tpu.dma_semaphore, #tpu.memory_space<semaphore_mem>>
          %dma_start3A = arith.constant 0 : i32
          %dma_start3A_36 = arith.constant 0 : i32
          %dma_start3A_37 = tpu.memref_slice %arg8[%dma_start3A, %dma_start3A_36] : memref<10000x128xf32, #tpu.memory_space<vmem_shared>> -> memref<10000x128xf32, #tpu.memory_space<vmem_shared>>
          tpu.enqueue_indirect_dma source(%arg7 : memref<128x128xf32, #tpu.memory_space<vmem>>) target(%dma_start3A_37 : memref<10000x128xf32, #tpu.memory_space<vmem_shared>>) offsets(%arg6 : memref<128xi32, #tpu.memory_space<vmem>>) semaphore(%run_scoped3A : memref<!tpu.dma_semaphore, #tpu.memory_space<semaphore_mem>>) {add = true}
          %dma_wait3A = arith.constant 0 : i32
          %dma_wait3A_38 = arith.constant 0 : i32
          %dma_wait3A_39 = tpu.memref_slice %arg8[%dma_wait3A, %dma_wait3A_38] : memref<10000x128xf32, #tpu.memory_space<vmem_shared>> -> memref<10000x128xf32, #tpu.memory_space<vmem_shared>>
          tpu.wait_indirect_dma semaphore(%run_scoped3A : memref<!tpu.dma_semaphore, #tpu.memory_space<semaphore_mem>>) src(%arg7 : memref<128x128xf32, #tpu.memory_space<vmem>>) dst(%dma_wait3A_39 : memref<10000x128xf32, #tpu.memory_space<vmem_shared>>)
          tpu.yield
        }) : () -> ()
      } else {
      }
    }
    %scan3A_13 = arith.constant 40 : i32
    %barrier3A_14 = arith.constant 0 : index
    tpu.barrier barrier_id(%barrier3A_14)
    %scan3A_15 = arith.constant 0 : i32
    %scan3A_16 = arith.constant 0 : i32
    %scan3A_17 = arith.constant 5 : i32
    %scan3A_18 = arith.addi %scan3A_16, %scan3A_17 : i32
    %scan3A_19 = arith.constant 1 : i32
    scf.for %scan3A_26 = %scan3A_16 to %scan3A_18 step %scan3A_19  : i32 {
      %mul3A_27 = arith.constant 16 : i32
      %mul3A_28 = arith.muli %mul3A_27, %scan3A_26 : i32
      %add3A_29 = arith.addi %arg1, %mul3A_28 : i32
      %lt3A = arith.constant 78 : i32
      %lt3A_30 = arith.cmpi slt, %add3A_29, %lt3A : i32
      %convert_element_type3A_31 = arith.extui %lt3A_30 : i1 to i32
      %cond3A_32 = arith.constant 0 : i32
      %cond3A_33 = arith.cmpi ne, %convert_element_type3A_31, %cond3A_32 : i32
      scf.if %cond3A_33 {
        %mul3A_34 = arith.constant 128 : i32
        %mul3A_35 = arith.muli %add3A_29, %mul3A_34 : i32
        "tpu.region"() ({
          %run_scoped3A = tpu.sem_alloc : memref<!tpu.dma_semaphore, #tpu.memory_space<semaphore_mem>>
          %dma_start3A = arith.constant 0 : i32
          %dma_start3A_39 = tpu.memref_slice %arg8[%mul3A_35, %dma_start3A] : memref<10000x128xf32, #tpu.memory_space<vmem_shared>> -> memref<128x128xf32, #tpu.memory_space<vmem_shared>>
          %dma_start3A_40 = arith.constant 0 : i32
          %dma_start3A_41 = tpu.memref_slice %arg8[%mul3A_35, %dma_start3A_40] : memref<10000x128xf32, #tpu.memory_space<vmem_shared>> -> memref<128x128xf32, #tpu.memory_space<vmem_shared>>
          tpu.enqueue_dma source(%dma_start3A_41 : memref<128x128xf32, #tpu.memory_space<vmem_shared>>) target(%arg7 : memref<128x128xf32, #tpu.memory_space<vmem>>) target_semaphore(%run_scoped3A : memref<!tpu.dma_semaphore, #tpu.memory_space<semaphore_mem>>)
          %dma_wait3A = arith.constant 0 : i32
          %dma_wait3A_42 = tpu.memref_slice %arg8[%mul3A_35, %dma_wait3A] : memref<10000x128xf32, #tpu.memory_space<vmem_shared>> -> memref<128x128xf32, #tpu.memory_space<vmem_shared>>
          %dma_wait3A_43 = arith.constant 0 : i32
          %dma_wait3A_44 = tpu.memref_slice %arg8[%mul3A_35, %dma_wait3A_43] : memref<10000x128xf32, #tpu.memory_space<vmem_shared>> -> memref<128x128xf32, #tpu.memory_space<vmem_shared>>
          tpu.wait_dma2 semaphore(%run_scoped3A : memref<!tpu.dma_semaphore, #tpu.memory_space<semaphore_mem>>) src(%dma_wait3A_44 : memref<128x128xf32, #tpu.memory_space<vmem_shared>>) dst(%arg7 : memref<128x128xf32, #tpu.memory_space<vmem>>)
          tpu.yield
        }) : () -> ()
        %mul3A_36 = arith.constant 10000 : i32
        %mul3A_37 = arith.muli %arg0, %mul3A_36 : i32
        %add3A_38 = arith.addi %mul3A_37, %mul3A_35 : i32
        "tpu.region"() ({
          %run_scoped3A = tpu.sem_alloc : memref<!tpu.dma_semaphore, #tpu.memory_space<semaphore_mem>>
          %dma_start3A = arith.constant 0 : i32
          %dma_start3A_39 = tpu.memref_slice %arg5[%add3A_38, %dma_start3A] : memref<20000x128xf32, #tpu.memory_space<hbm>> -> memref<128x128xf32, #tpu.memory_space<hbm>>
          %dma_start3A_40 = arith.constant 0 : i32
          %dma_start3A_41 = tpu.memref_slice %arg5[%add3A_38, %dma_start3A_40] : memref<20000x128xf32, #tpu.memory_space<hbm>> -> memref<128x128xf32, #tpu.memory_space<hbm>>
          tpu.enqueue_dma source(%arg7 : memref<128x128xf32, #tpu.memory_space<vmem>>) target(%dma_start3A_41 : memref<128x128xf32, #tpu.memory_space<hbm>>) target_semaphore(%run_scoped3A : memref<!tpu.dma_semaphore, #tpu.memory_space<semaphore_mem>>)
          %dma_wait3A = arith.constant 0 : i32
          %dma_wait3A_42 = tpu.memref_slice %arg5[%add3A_38, %dma_wait3A] : memref<20000x128xf32, #tpu.memory_space<hbm>> -> memref<128x128xf32, #tpu.memory_space<hbm>>
          %dma_wait3A_43 = arith.constant 0 : i32
          %dma_wait3A_44 = tpu.memref_slice %arg5[%add3A_38, %dma_wait3A_43] : memref<20000x128xf32, #tpu.memory_space<hbm>> -> memref<128x128xf32, #tpu.memory_space<hbm>>
          tpu.wait_dma2 semaphore(%run_scoped3A : memref<!tpu.dma_semaphore, #tpu.memory_space<semaphore_mem>>) src(%arg7 : memref<128x128xf32, #tpu.memory_space<vmem>>) dst(%dma_wait3A_44 : memref<128x128xf32, #tpu.memory_space<hbm>>)
          tpu.yield
        }) : () -> ()
      } else {
      }
    }
    %scan3A_20 = arith.constant 5 : i32
    %eq3A_21 = arith.constant 15 : i32
    %eq3A_22 = arith.cmpi eq, %arg1, %eq3A_21 : i32
    %convert_element_type3A_23 = arith.extui %eq3A_22 : i1 to i32
    %cond3A_24 = arith.constant 0 : i32
    %cond3A_25 = arith.cmpi ne, %convert_element_type3A_23, %cond3A_24 : i32
    scf.if %cond3A_25 {
      "tpu.region"() ({
        %run_scoped3A = tpu.sem_alloc : memref<!tpu.dma_semaphore, #tpu.memory_space<semaphore_mem>>
        %dma_start3A = arith.constant 0 : i32
        %dma_start3A_30 = arith.constant 0 : i32
        %dma_start3A_31 = tpu.memref_slice %arg7[%dma_start3A, %dma_start3A_30] : memref<128x128xf32, #tpu.memory_space<vmem>> -> memref<16x128xf32, #tpu.memory_space<vmem>>
        %dma_start3A_32 = arith.constant 9984 : i32
        %dma_start3A_33 = arith.constant 0 : i32
        %dma_start3A_34 = tpu.memref_slice %arg8[%dma_start3A_32, %dma_start3A_33] : memref<10000x128xf32, #tpu.memory_space<vmem_shared>> -> memref<16x128xf32, #tpu.memory_space<vmem_shared>>
        %dma_start3A_35 = arith.constant 0 : i32
        %dma_start3A_36 = arith.constant 0 : i32
        %dma_start3A_37 = tpu.memref_slice %arg7[%dma_start3A_35, %dma_start3A_36] : memref<128x128xf32, #tpu.memory_space<vmem>> -> memref<16x128xf32, #tpu.memory_space<vmem>>
        %dma_start3A_38 = arith.constant 9984 : i32
        %dma_start3A_39 = arith.constant 0 : i32
        %dma_start3A_40 = tpu.memref_slice %arg8[%dma_start3A_38, %dma_start3A_39] : memref<10000x128xf32, #tpu.memory_space<vmem_shared>> -> memref<16x128xf32, #tpu.memory_space<vmem_shared>>
        tpu.enqueue_dma source(%dma_start3A_40 : memref<16x128xf32, #tpu.memory_space<vmem_shared>>) target(%dma_start3A_37 : memref<16x128xf32, #tpu.memory_space<vmem>>) target_semaphore(%run_scoped3A : memref<!tpu.dma_semaphore, #tpu.memory_space<semaphore_mem>>)
        %dma_wait3A = arith.constant 0 : i32
        %dma_wait3A_41 = arith.constant 0 : i32
        %dma_wait3A_42 = tpu.memref_slice %arg7[%dma_wait3A, %dma_wait3A_41] : memref<128x128xf32, #tpu.memory_space<vmem>> -> memref<16x128xf32, #tpu.memory_space<vmem>>
        %dma_wait3A_43 = arith.constant 9984 : i32
        %dma_wait3A_44 = arith.constant 0 : i32
        %dma_wait3A_45 = tpu.memref_slice %arg8[%dma_wait3A_43, %dma_wait3A_44] : memref<10000x128xf32, #tpu.memory_space<vmem_shared>> -> memref<16x128xf32, #tpu.memory_space<vmem_shared>>
        %dma_wait3A_46 = arith.constant 0 : i32
        %dma_wait3A_47 = arith.constant 0 : i32
        %dma_wait3A_48 = tpu.memref_slice %arg7[%dma_wait3A_46, %dma_wait3A_47] : memref<128x128xf32, #tpu.memory_space<vmem>> -> memref<16x128xf32, #tpu.memory_space<vmem>>
        %dma_wait3A_49 = arith.constant 9984 : i32
        %dma_wait3A_50 = arith.constant 0 : i32
        %dma_wait3A_51 = tpu.memref_slice %arg8[%dma_wait3A_49, %dma_wait3A_50] : memref<10000x128xf32, #tpu.memory_space<vmem_shared>> -> memref<16x128xf32, #tpu.memory_space<vmem_shared>>
        tpu.wait_dma2 semaphore(%run_scoped3A : memref<!tpu.dma_semaphore, #tpu.memory_space<semaphore_mem>>) src(%dma_wait3A_51 : memref<16x128xf32, #tpu.memory_space<vmem_shared>>) dst(%dma_wait3A_48 : memref<16x128xf32, #tpu.memory_space<vmem>>)
        tpu.yield
      }) : () -> ()
      %mul3A_26 = arith.constant 10000 : i32
      %mul3A_27 = arith.muli %arg0, %mul3A_26 : i32
      %add3A_28 = arith.constant 9984 : i32
      %add3A_29 = arith.addi %mul3A_27, %add3A_28 : i32
      "tpu.region"() ({
        %run_scoped3A = tpu.sem_alloc : memref<!tpu.dma_semaphore, #tpu.memory_space<semaphore_mem>>
        %dma_start3A = arith.constant 0 : i32
        %dma_start3A_30 = arith.constant 0 : i32
        %dma_start3A_31 = tpu.memref_slice %arg7[%dma_start3A, %dma_start3A_30] : memref<128x128xf32, #tpu.memory_space<vmem>> -> memref<16x128xf32, #tpu.memory_space<vmem>>
        %dma_start3A_32 = arith.constant 0 : i32
        %dma_start3A_33 = tpu.memref_slice %arg5[%add3A_29, %dma_start3A_32] : memref<20000x128xf32, #tpu.memory_space<hbm>> -> memref<16x128xf32, #tpu.memory_space<hbm>>
        %dma_start3A_34 = arith.constant 0 : i32
        %dma_start3A_35 = tpu.memref_slice %arg5[%add3A_29, %dma_start3A_34] : memref<20000x128xf32, #tpu.memory_space<hbm>> -> memref<16x128xf32, #tpu.memory_space<hbm>>
        %dma_start3A_36 = arith.constant 0 : i32
        %dma_start3A_37 = arith.constant 0 : i32
        %dma_start3A_38 = tpu.memref_slice %arg7[%dma_start3A_36, %dma_start3A_37] : memref<128x128xf32, #tpu.memory_space<vmem>> -> memref<16x128xf32, #tpu.memory_space<vmem>>
        tpu.enqueue_dma source(%dma_start3A_38 : memref<16x128xf32, #tpu.memory_space<vmem>>) target(%dma_start3A_35 : memref<16x128xf32, #tpu.memory_space<hbm>>) target_semaphore(%run_scoped3A : memref<!tpu.dma_semaphore, #tpu.memory_space<semaphore_mem>>)
        %dma_wait3A = arith.constant 0 : i32
        %dma_wait3A_39 = arith.constant 0 : i32
        %dma_wait3A_40 = tpu.memref_slice %arg7[%dma_wait3A, %dma_wait3A_39] : memref<128x128xf32, #tpu.memory_space<vmem>> -> memref<16x128xf32, #tpu.memory_space<vmem>>
        %dma_wait3A_41 = arith.constant 0 : i32
        %dma_wait3A_42 = tpu.memref_slice %arg5[%add3A_29, %dma_wait3A_41] : memref<20000x128xf32, #tpu.memory_space<hbm>> -> memref<16x128xf32, #tpu.memory_space<hbm>>
        %dma_wait3A_43 = arith.constant 0 : i32
        %dma_wait3A_44 = tpu.memref_slice %arg5[%add3A_29, %dma_wait3A_43] : memref<20000x128xf32, #tpu.memory_space<hbm>> -> memref<16x128xf32, #tpu.memory_space<hbm>>
        %dma_wait3A_45 = arith.constant 0 : i32
        %dma_wait3A_46 = arith.constant 0 : i32
        %dma_wait3A_47 = tpu.memref_slice %arg7[%dma_wait3A_45, %dma_wait3A_46] : memref<128x128xf32, #tpu.memory_space<vmem>> -> memref<16x128xf32, #tpu.memory_space<vmem>>
        tpu.wait_dma2 semaphore(%run_scoped3A : memref<!tpu.dma_semaphore, #tpu.memory_space<semaphore_mem>>) src(%dma_wait3A_47 : memref<16x128xf32, #tpu.memory_space<vmem>>) dst(%dma_wait3A_44 : memref<16x128xf32, #tpu.memory_space<hbm>>)
        tpu.yield
      }) : () -> ()
    } else {
    }
    return
  }
}

#map = affine_map<(d0, d1) -> (0)>
#map1 = affine_map<(d0, d1) -> (0, 0)>
module attributes {stable_mosaic.version = 14 : i64} {
  func.func @_gather_body(%arg0: i32, %arg1: i32, %arg2: memref<10000xi32, #tpu.memory_space<hbm>>, %arg3: memref<160000xi32, #tpu.memory_space<hbm>>, %arg4: memref<160000xi32, #tpu.memory_space<hbm>>, %arg5: memref<10000x256xf32, #tpu.memory_space<hbm>>, %arg6: memref<10000x256xf32, #tpu.memory_space<hbm>>, %arg7: memref<10000x256xf32, #tpu.memory_space<hbm>>, %arg8: memref<160000x256xf32, #tpu.memory_space<hbm>>, %arg9: memref<160000x256xf32, #tpu.memory_space<hbm>>, %arg10: memref<10000x256xf32, #tpu.memory_space<hbm>>, %arg11: memref<10000xi32, #tpu.memory_space<vmem>>, %arg12: memref<128xi32, #tpu.memory_space<vmem>>, %arg13: memref<128xi32, #tpu.memory_space<vmem>>, %arg14: memref<80xi32, #tpu.memory_space<vmem>>, %arg15: memref<128x256xf32, #tpu.memory_space<vmem>>, %arg16: memref<!tpu.dma_semaphore, #tpu.memory_space<semaphore_mem>>) attributes {dimension_semantics = [#tpu.dimension_semantics<core_parallel>, #tpu.dimension_semantics<subcore_parallel>], iteration_bounds = array<i64: 2, 16>, scalar_prefetch = 0 : i64, scratch_operands = 6 : i64, tpu.core_type = #tpu.core_type<sc_vector_subcore>, window_params = [{transform_indices = #map}, {transform_indices = #map}, {transform_indices = #map}, {transform_indices = #map1}, {transform_indices = #map1}, {transform_indices = #map1}, {transform_indices = #map1}, {transform_indices = #map1}, {transform_indices = #map1}]} {
    %mul3A = arith.constant 2 : i32
    %mul3A_0 = arith.muli %arg1, %mul3A : i32
    %add3A = arith.addi %mul3A_0, %arg0 : i32
    "tpu.region"() ({
      %run_scoped3A = tpu.sem_alloc : memref<!tpu.dma_semaphore, #tpu.memory_space<semaphore_mem>>
      tpu.enqueue_dma source(%arg2 : memref<10000xi32, #tpu.memory_space<hbm>>) target(%arg11 : memref<10000xi32, #tpu.memory_space<vmem>>) target_semaphore(%run_scoped3A : memref<!tpu.dma_semaphore, #tpu.memory_space<semaphore_mem>>)
      tpu.wait_dma2 semaphore(%run_scoped3A : memref<!tpu.dma_semaphore, #tpu.memory_space<semaphore_mem>>) src(%arg2 : memref<10000xi32, #tpu.memory_space<hbm>>) dst(%arg11 : memref<10000xi32, #tpu.memory_space<vmem>>)
      tpu.yield
    }) : () -> ()
    %scan3A = arith.constant 0 : i32
    %scan3A_1 = arith.constant 0 : i32
    %scan3A_2 = arith.constant 40 : i32
    %scan3A_3 = arith.addi %scan3A_1, %scan3A_2 : i32
    %scan3A_4 = arith.constant 1 : i32
    scf.for %scan3A_18 = %scan3A_1 to %scan3A_3 step %scan3A_4  : i32 {
      %mul3A_19 = arith.constant 32 : i32
      %mul3A_20 = arith.muli %mul3A_19, %scan3A_18 : i32
      %add3A_21 = arith.addi %add3A, %mul3A_20 : i32
      %lt3A = arith.constant 1250 : i32
      %lt3A_22 = arith.cmpi slt, %add3A_21, %lt3A : i32
      %convert_element_type3A = arith.extui %lt3A_22 : i1 to i32
      %cond3A = arith.constant 0 : i32
      %cond3A_23 = arith.cmpi ne, %convert_element_type3A, %cond3A : i32
      scf.if %cond3A_23 {
        %mul3A_24 = arith.constant 128 : i32
        %mul3A_25 = arith.muli %add3A_21, %mul3A_24 : i32
        "tpu.region"() ({
          %run_scoped3A = tpu.sem_alloc : memref<!tpu.dma_semaphore, #tpu.memory_space<semaphore_mem>>
          %dma_start3A_67 = tpu.memref_slice %arg3[%mul3A_25] : memref<160000xi32, #tpu.memory_space<hbm>> -> memref<128xi32, #tpu.memory_space<hbm>>
          %dma_start3A_68 = tpu.memref_slice %arg3[%mul3A_25] : memref<160000xi32, #tpu.memory_space<hbm>> -> memref<128xi32, #tpu.memory_space<hbm>>
          tpu.enqueue_dma source(%dma_start3A_68 : memref<128xi32, #tpu.memory_space<hbm>>) target(%arg12 : memref<128xi32, #tpu.memory_space<vmem>>) target_semaphore(%run_scoped3A : memref<!tpu.dma_semaphore, #tpu.memory_space<semaphore_mem>>)
          %dma_wait3A_69 = tpu.memref_slice %arg3[%mul3A_25] : memref<160000xi32, #tpu.memory_space<hbm>> -> memref<128xi32, #tpu.memory_space<hbm>>
          %dma_wait3A_70 = tpu.memref_slice %arg3[%mul3A_25] : memref<160000xi32, #tpu.memory_space<hbm>> -> memref<128xi32, #tpu.memory_space<hbm>>
          tpu.wait_dma2 semaphore(%run_scoped3A : memref<!tpu.dma_semaphore, #tpu.memory_space<semaphore_mem>>) src(%dma_wait3A_70 : memref<128xi32, #tpu.memory_space<hbm>>) dst(%arg12 : memref<128xi32, #tpu.memory_space<vmem>>)
          tpu.yield
        }) : () -> ()
        %get3A = arith.constant 0 : index
        %get3A_26 = tpu.vector_load %arg12[%get3A] {strides = array<i32>} : memref<128xi32, #tpu.memory_space<vmem>>, vector<16xi32>,
        %gather3A = tpu.vector_load_idx %arg11[%get3A_26] : memref<10000xi32, #tpu.memory_space<vmem>>[vector<16xi32>], vector<16xi32>,
        %swap3A = arith.constant 0 : index
        %swap3A_27 = tpu.vector_load %arg13[%swap3A] {strides = array<i32>} : memref<128xi32, #tpu.memory_space<vmem>>, vector<16xi32>,
        tpu.vector_store %arg13[%swap3A], %gather3A {strides = array<i32>} : memref<128xi32, #tpu.memory_space<vmem>>, vector<16xi32>,
        %get3A_28 = arith.constant 16 : index
        %get3A_29 = tpu.vector_load %arg12[%get3A_28] {strides = array<i32>} : memref<128xi32, #tpu.memory_space<vmem>>, vector<16xi32>,
        %gather3A_30 = tpu.vector_load_idx %arg11[%get3A_29] : memref<10000xi32, #tpu.memory_space<vmem>>[vector<16xi32>], vector<16xi32>,
        %swap3A_31 = arith.constant 16 : index
        %swap3A_32 = tpu.vector_load %arg13[%swap3A_31] {strides = array<i32>} : memref<128xi32, #tpu.memory_space<vmem>>, vector<16xi32>,
        tpu.vector_store %arg13[%swap3A_31], %gather3A_30 {strides = array<i32>} : memref<128xi32, #tpu.memory_space<vmem>>, vector<16xi32>,
        %get3A_33 = arith.constant 32 : index
        %get3A_34 = tpu.vector_load %arg12[%get3A_33] {strides = array<i32>} : memref<128xi32, #tpu.memory_space<vmem>>, vector<16xi32>,
        %gather3A_35 = tpu.vector_load_idx %arg11[%get3A_34] : memref<10000xi32, #tpu.memory_space<vmem>>[vector<16xi32>], vector<16xi32>,
        %swap3A_36 = arith.constant 32 : index
        %swap3A_37 = tpu.vector_load %arg13[%swap3A_36] {strides = array<i32>} : memref<128xi32, #tpu.memory_space<vmem>>, vector<16xi32>,
        tpu.vector_store %arg13[%swap3A_36], %gather3A_35 {strides = array<i32>} : memref<128xi32, #tpu.memory_space<vmem>>, vector<16xi32>,
        %get3A_38 = arith.constant 48 : index
        %get3A_39 = tpu.vector_load %arg12[%get3A_38] {strides = array<i32>} : memref<128xi32, #tpu.memory_space<vmem>>, vector<16xi32>,
        %gather3A_40 = tpu.vector_load_idx %arg11[%get3A_39] : memref<10000xi32, #tpu.memory_space<vmem>>[vector<16xi32>], vector<16xi32>,
        %swap3A_41 = arith.constant 48 : index
        %swap3A_42 = tpu.vector_load %arg13[%swap3A_41] {strides = array<i32>} : memref<128xi32, #tpu.memory_space<vmem>>, vector<16xi32>,
        tpu.vector_store %arg13[%swap3A_41], %gather3A_40 {strides = array<i32>} : memref<128xi32, #tpu.memory_space<vmem>>, vector<16xi32>,
        %get3A_43 = arith.constant 64 : index
        %get3A_44 = tpu.vector_load %arg12[%get3A_43] {strides = array<i32>} : memref<128xi32, #tpu.memory_space<vmem>>, vector<16xi32>,
        %gather3A_45 = tpu.vector_load_idx %arg11[%get3A_44] : memref<10000xi32, #tpu.memory_space<vmem>>[vector<16xi32>], vector<16xi32>,
        %swap3A_46 = arith.constant 64 : index
        %swap3A_47 = tpu.vector_load %arg13[%swap3A_46] {strides = array<i32>} : memref<128xi32, #tpu.memory_space<vmem>>, vector<16xi32>,
        tpu.vector_store %arg13[%swap3A_46], %gather3A_45 {strides = array<i32>} : memref<128xi32, #tpu.memory_space<vmem>>, vector<16xi32>,
        %get3A_48 = arith.constant 80 : index
        %get3A_49 = tpu.vector_load %arg12[%get3A_48] {strides = array<i32>} : memref<128xi32, #tpu.memory_space<vmem>>, vector<16xi32>,
        %gather3A_50 = tpu.vector_load_idx %arg11[%get3A_49] : memref<10000xi32, #tpu.memory_space<vmem>>[vector<16xi32>], vector<16xi32>,
        %swap3A_51 = arith.constant 80 : index
        %swap3A_52 = tpu.vector_load %arg13[%swap3A_51] {strides = array<i32>} : memref<128xi32, #tpu.memory_space<vmem>>, vector<16xi32>,
        tpu.vector_store %arg13[%swap3A_51], %gather3A_50 {strides = array<i32>} : memref<128xi32, #tpu.memory_space<vmem>>, vector<16xi32>,
        %get3A_53 = arith.constant 96 : index
        %get3A_54 = tpu.vector_load %arg12[%get3A_53] {strides = array<i32>} : memref<128xi32, #tpu.memory_space<vmem>>, vector<16xi32>,
        %gather3A_55 = tpu.vector_load_idx %arg11[%get3A_54] : memref<10000xi32, #tpu.memory_space<vmem>>[vector<16xi32>], vector<16xi32>,
        %swap3A_56 = arith.constant 96 : index
        %swap3A_57 = tpu.vector_load %arg13[%swap3A_56] {strides = array<i32>} : memref<128xi32, #tpu.memory_space<vmem>>, vector<16xi32>,
        tpu.vector_store %arg13[%swap3A_56], %gather3A_55 {strides = array<i32>} : memref<128xi32, #tpu.memory_space<vmem>>, vector<16xi32>,
        %get3A_58 = arith.constant 112 : index
        %get3A_59 = tpu.vector_load %arg12[%get3A_58] {strides = array<i32>} : memref<128xi32, #tpu.memory_space<vmem>>, vector<16xi32>,
        %gather3A_60 = tpu.vector_load_idx %arg11[%get3A_59] : memref<10000xi32, #tpu.memory_space<vmem>>[vector<16xi32>], vector<16xi32>,
        %swap3A_61 = arith.constant 112 : index
        %swap3A_62 = tpu.vector_load %arg13[%swap3A_61] {strides = array<i32>} : memref<128xi32, #tpu.memory_space<vmem>>, vector<16xi32>,
        tpu.vector_store %arg13[%swap3A_61], %gather3A_60 {strides = array<i32>} : memref<128xi32, #tpu.memory_space<vmem>>, vector<16xi32>,
        %dma_start3A = arith.constant 0 : i32
        %dma_start3A_63 = arith.constant 0 : i32
        %dma_start3A_64 = tpu.memref_slice %arg5[%dma_start3A, %dma_start3A_63] : memref<10000x256xf32, #tpu.memory_space<hbm>> -> memref<10000x256xf32, #tpu.memory_space<hbm>>
        tpu.enqueue_indirect_dma source(%dma_start3A_64 : memref<10000x256xf32, #tpu.memory_space<hbm>>) target(%arg15 : memref<128x256xf32, #tpu.memory_space<vmem>>) offsets(%arg13 : memref<128xi32, #tpu.memory_space<vmem>>) semaphore(%arg16 : memref<!tpu.dma_semaphore, #tpu.memory_space<semaphore_mem>>)
        %dma_wait3A = arith.constant 0 : i32
        %dma_wait3A_65 = arith.constant 0 : i32
        %dma_wait3A_66 = tpu.memref_slice %arg5[%dma_wait3A, %dma_wait3A_65] : memref<10000x256xf32, #tpu.memory_space<hbm>> -> memref<10000x256xf32, #tpu.memory_space<hbm>>
        tpu.wait_indirect_dma semaphore(%arg16 : memref<!tpu.dma_semaphore, #tpu.memory_space<semaphore_mem>>) src(%dma_wait3A_66 : memref<10000x256xf32, #tpu.memory_space<hbm>>) dst(%arg15 : memref<128x256xf32, #tpu.memory_space<vmem>>)
        "tpu.region"() ({
          %run_scoped3A = tpu.sem_alloc : memref<!tpu.dma_semaphore, #tpu.memory_space<semaphore_mem>>
          %dma_start3A_67 = arith.constant 0 : i32
          %dma_start3A_68 = tpu.memref_slice %arg8[%mul3A_25, %dma_start3A_67] : memref<160000x256xf32, #tpu.memory_space<hbm>> -> memref<128x256xf32, #tpu.memory_space<hbm>>
          %dma_start3A_69 = arith.constant 0 : i32
          %dma_start3A_70 = tpu.memref_slice %arg8[%mul3A_25, %dma_start3A_69] : memref<160000x256xf32, #tpu.memory_space<hbm>> -> memref<128x256xf32, #tpu.memory_space<hbm>>
          tpu.enqueue_dma source(%arg15 : memref<128x256xf32, #tpu.memory_space<vmem>>) target(%dma_start3A_70 : memref<128x256xf32, #tpu.memory_space<hbm>>) target_semaphore(%run_scoped3A : memref<!tpu.dma_semaphore, #tpu.memory_space<semaphore_mem>>)
          %dma_wait3A_71 = arith.constant 0 : i32
          %dma_wait3A_72 = tpu.memref_slice %arg8[%mul3A_25, %dma_wait3A_71] : memref<160000x256xf32, #tpu.memory_space<hbm>> -> memref<128x256xf32, #tpu.memory_space<hbm>>
          %dma_wait3A_73 = arith.constant 0 : i32
          %dma_wait3A_74 = tpu.memref_slice %arg8[%mul3A_25, %dma_wait3A_73] : memref<160000x256xf32, #tpu.memory_space<hbm>> -> memref<128x256xf32, #tpu.memory_space<hbm>>
          tpu.wait_dma2 semaphore(%run_scoped3A : memref<!tpu.dma_semaphore, #tpu.memory_space<semaphore_mem>>) src(%arg15 : memref<128x256xf32, #tpu.memory_space<vmem>>) dst(%dma_wait3A_74 : memref<128x256xf32, #tpu.memory_space<hbm>>)
          tpu.yield
        }) : () -> ()
      } else {
      }
    }
    %scan3A_5 = arith.constant 40 : i32
    %scan3A_6 = arith.constant 0 : i32
    %scan3A_7 = arith.constant 0 : i32
    %scan3A_8 = arith.constant 40 : i32
    %scan3A_9 = arith.addi %scan3A_7, %scan3A_8 : i32
    %scan3A_10 = arith.constant 1 : i32
    scf.for %scan3A_18 = %scan3A_7 to %scan3A_9 step %scan3A_10  : i32 {
      %mul3A_19 = arith.constant 32 : i32
      %mul3A_20 = arith.muli %mul3A_19, %scan3A_18 : i32
      %add3A_21 = arith.addi %add3A, %mul3A_20 : i32
      %lt3A = arith.constant 1250 : i32
      %lt3A_22 = arith.cmpi slt, %add3A_21, %lt3A : i32
      %convert_element_type3A = arith.extui %lt3A_22 : i1 to i32
      %cond3A = arith.constant 0 : i32
      %cond3A_23 = arith.cmpi ne, %convert_element_type3A, %cond3A : i32
      scf.if %cond3A_23 {
        %mul3A_24 = arith.constant 128 : i32
        %mul3A_25 = arith.muli %add3A_21, %mul3A_24 : i32
        "tpu.region"() ({
          %run_scoped3A = tpu.sem_alloc : memref<!tpu.dma_semaphore, #tpu.memory_space<semaphore_mem>>
          %dma_start3A_67 = tpu.memref_slice %arg4[%mul3A_25] : memref<160000xi32, #tpu.memory_space<hbm>> -> memref<128xi32, #tpu.memory_space<hbm>>
          %dma_start3A_68 = tpu.memref_slice %arg4[%mul3A_25] : memref<160000xi32, #tpu.memory_space<hbm>> -> memref<128xi32, #tpu.memory_space<hbm>>
          tpu.enqueue_dma source(%dma_start3A_68 : memref<128xi32, #tpu.memory_space<hbm>>) target(%arg12 : memref<128xi32, #tpu.memory_space<vmem>>) target_semaphore(%run_scoped3A : memref<!tpu.dma_semaphore, #tpu.memory_space<semaphore_mem>>)
          %dma_wait3A_69 = tpu.memref_slice %arg4[%mul3A_25] : memref<160000xi32, #tpu.memory_space<hbm>> -> memref<128xi32, #tpu.memory_space<hbm>>
          %dma_wait3A_70 = tpu.memref_slice %arg4[%mul3A_25] : memref<160000xi32, #tpu.memory_space<hbm>> -> memref<128xi32, #tpu.memory_space<hbm>>
          tpu.wait_dma2 semaphore(%run_scoped3A : memref<!tpu.dma_semaphore, #tpu.memory_space<semaphore_mem>>) src(%dma_wait3A_70 : memref<128xi32, #tpu.memory_space<hbm>>) dst(%arg12 : memref<128xi32, #tpu.memory_space<vmem>>)
          tpu.yield
        }) : () -> ()
        %get3A = arith.constant 0 : index
        %get3A_26 = tpu.vector_load %arg12[%get3A] {strides = array<i32>} : memref<128xi32, #tpu.memory_space<vmem>>, vector<16xi32>,
        %gather3A = tpu.vector_load_idx %arg11[%get3A_26] : memref<10000xi32, #tpu.memory_space<vmem>>[vector<16xi32>], vector<16xi32>,
        %swap3A = arith.constant 0 : index
        %swap3A_27 = tpu.vector_load %arg13[%swap3A] {strides = array<i32>} : memref<128xi32, #tpu.memory_space<vmem>>, vector<16xi32>,
        tpu.vector_store %arg13[%swap3A], %gather3A {strides = array<i32>} : memref<128xi32, #tpu.memory_space<vmem>>, vector<16xi32>,
        %get3A_28 = arith.constant 16 : index
        %get3A_29 = tpu.vector_load %arg12[%get3A_28] {strides = array<i32>} : memref<128xi32, #tpu.memory_space<vmem>>, vector<16xi32>,
        %gather3A_30 = tpu.vector_load_idx %arg11[%get3A_29] : memref<10000xi32, #tpu.memory_space<vmem>>[vector<16xi32>], vector<16xi32>,
        %swap3A_31 = arith.constant 16 : index
        %swap3A_32 = tpu.vector_load %arg13[%swap3A_31] {strides = array<i32>} : memref<128xi32, #tpu.memory_space<vmem>>, vector<16xi32>,
        tpu.vector_store %arg13[%swap3A_31], %gather3A_30 {strides = array<i32>} : memref<128xi32, #tpu.memory_space<vmem>>, vector<16xi32>,
        %get3A_33 = arith.constant 32 : index
        %get3A_34 = tpu.vector_load %arg12[%get3A_33] {strides = array<i32>} : memref<128xi32, #tpu.memory_space<vmem>>, vector<16xi32>,
        %gather3A_35 = tpu.vector_load_idx %arg11[%get3A_34] : memref<10000xi32, #tpu.memory_space<vmem>>[vector<16xi32>], vector<16xi32>,
        %swap3A_36 = arith.constant 32 : index
        %swap3A_37 = tpu.vector_load %arg13[%swap3A_36] {strides = array<i32>} : memref<128xi32, #tpu.memory_space<vmem>>, vector<16xi32>,
        tpu.vector_store %arg13[%swap3A_36], %gather3A_35 {strides = array<i32>} : memref<128xi32, #tpu.memory_space<vmem>>, vector<16xi32>,
        %get3A_38 = arith.constant 48 : index
        %get3A_39 = tpu.vector_load %arg12[%get3A_38] {strides = array<i32>} : memref<128xi32, #tpu.memory_space<vmem>>, vector<16xi32>,
        %gather3A_40 = tpu.vector_load_idx %arg11[%get3A_39] : memref<10000xi32, #tpu.memory_space<vmem>>[vector<16xi32>], vector<16xi32>,
        %swap3A_41 = arith.constant 48 : index
        %swap3A_42 = tpu.vector_load %arg13[%swap3A_41] {strides = array<i32>} : memref<128xi32, #tpu.memory_space<vmem>>, vector<16xi32>,
        tpu.vector_store %arg13[%swap3A_41], %gather3A_40 {strides = array<i32>} : memref<128xi32, #tpu.memory_space<vmem>>, vector<16xi32>,
        %get3A_43 = arith.constant 64 : index
        %get3A_44 = tpu.vector_load %arg12[%get3A_43] {strides = array<i32>} : memref<128xi32, #tpu.memory_space<vmem>>, vector<16xi32>,
        %gather3A_45 = tpu.vector_load_idx %arg11[%get3A_44] : memref<10000xi32, #tpu.memory_space<vmem>>[vector<16xi32>], vector<16xi32>,
        %swap3A_46 = arith.constant 64 : index
        %swap3A_47 = tpu.vector_load %arg13[%swap3A_46] {strides = array<i32>} : memref<128xi32, #tpu.memory_space<vmem>>, vector<16xi32>,
        tpu.vector_store %arg13[%swap3A_46], %gather3A_45 {strides = array<i32>} : memref<128xi32, #tpu.memory_space<vmem>>, vector<16xi32>,
        %get3A_48 = arith.constant 80 : index
        %get3A_49 = tpu.vector_load %arg12[%get3A_48] {strides = array<i32>} : memref<128xi32, #tpu.memory_space<vmem>>, vector<16xi32>,
        %gather3A_50 = tpu.vector_load_idx %arg11[%get3A_49] : memref<10000xi32, #tpu.memory_space<vmem>>[vector<16xi32>], vector<16xi32>,
        %swap3A_51 = arith.constant 80 : index
        %swap3A_52 = tpu.vector_load %arg13[%swap3A_51] {strides = array<i32>} : memref<128xi32, #tpu.memory_space<vmem>>, vector<16xi32>,
        tpu.vector_store %arg13[%swap3A_51], %gather3A_50 {strides = array<i32>} : memref<128xi32, #tpu.memory_space<vmem>>, vector<16xi32>,
        %get3A_53 = arith.constant 96 : index
        %get3A_54 = tpu.vector_load %arg12[%get3A_53] {strides = array<i32>} : memref<128xi32, #tpu.memory_space<vmem>>, vector<16xi32>,
        %gather3A_55 = tpu.vector_load_idx %arg11[%get3A_54] : memref<10000xi32, #tpu.memory_space<vmem>>[vector<16xi32>], vector<16xi32>,
        %swap3A_56 = arith.constant 96 : index
        %swap3A_57 = tpu.vector_load %arg13[%swap3A_56] {strides = array<i32>} : memref<128xi32, #tpu.memory_space<vmem>>, vector<16xi32>,
        tpu.vector_store %arg13[%swap3A_56], %gather3A_55 {strides = array<i32>} : memref<128xi32, #tpu.memory_space<vmem>>, vector<16xi32>,
        %get3A_58 = arith.constant 112 : index
        %get3A_59 = tpu.vector_load %arg12[%get3A_58] {strides = array<i32>} : memref<128xi32, #tpu.memory_space<vmem>>, vector<16xi32>,
        %gather3A_60 = tpu.vector_load_idx %arg11[%get3A_59] : memref<10000xi32, #tpu.memory_space<vmem>>[vector<16xi32>], vector<16xi32>,
        %swap3A_61 = arith.constant 112 : index
        %swap3A_62 = tpu.vector_load %arg13[%swap3A_61] {strides = array<i32>} : memref<128xi32, #tpu.memory_space<vmem>>, vector<16xi32>,
        tpu.vector_store %arg13[%swap3A_61], %gather3A_60 {strides = array<i32>} : memref<128xi32, #tpu.memory_space<vmem>>, vector<16xi32>,
        %dma_start3A = arith.constant 0 : i32
        %dma_start3A_63 = arith.constant 0 : i32
        %dma_start3A_64 = tpu.memref_slice %arg6[%dma_start3A, %dma_start3A_63] : memref<10000x256xf32, #tpu.memory_space<hbm>> -> memref<10000x256xf32, #tpu.memory_space<hbm>>
        tpu.enqueue_indirect_dma source(%dma_start3A_64 : memref<10000x256xf32, #tpu.memory_space<hbm>>) target(%arg15 : memref<128x256xf32, #tpu.memory_space<vmem>>) offsets(%arg13 : memref<128xi32, #tpu.memory_space<vmem>>) semaphore(%arg16 : memref<!tpu.dma_semaphore, #tpu.memory_space<semaphore_mem>>)
        %dma_wait3A = arith.constant 0 : i32
        %dma_wait3A_65 = arith.constant 0 : i32
        %dma_wait3A_66 = tpu.memref_slice %arg6[%dma_wait3A, %dma_wait3A_65] : memref<10000x256xf32, #tpu.memory_space<hbm>> -> memref<10000x256xf32, #tpu.memory_space<hbm>>
        tpu.wait_indirect_dma semaphore(%arg16 : memref<!tpu.dma_semaphore, #tpu.memory_space<semaphore_mem>>) src(%dma_wait3A_66 : memref<10000x256xf32, #tpu.memory_space<hbm>>) dst(%arg15 : memref<128x256xf32, #tpu.memory_space<vmem>>)
        "tpu.region"() ({
          %run_scoped3A = tpu.sem_alloc : memref<!tpu.dma_semaphore, #tpu.memory_space<semaphore_mem>>
          %dma_start3A_67 = arith.constant 0 : i32
          %dma_start3A_68 = tpu.memref_slice %arg9[%mul3A_25, %dma_start3A_67] : memref<160000x256xf32, #tpu.memory_space<hbm>> -> memref<128x256xf32, #tpu.memory_space<hbm>>
          %dma_start3A_69 = arith.constant 0 : i32
          %dma_start3A_70 = tpu.memref_slice %arg9[%mul3A_25, %dma_start3A_69] : memref<160000x256xf32, #tpu.memory_space<hbm>> -> memref<128x256xf32, #tpu.memory_space<hbm>>
          tpu.enqueue_dma source(%arg15 : memref<128x256xf32, #tpu.memory_space<vmem>>) target(%dma_start3A_70 : memref<128x256xf32, #tpu.memory_space<hbm>>) target_semaphore(%run_scoped3A : memref<!tpu.dma_semaphore, #tpu.memory_space<semaphore_mem>>)
          %dma_wait3A_71 = arith.constant 0 : i32
          %dma_wait3A_72 = tpu.memref_slice %arg9[%mul3A_25, %dma_wait3A_71] : memref<160000x256xf32, #tpu.memory_space<hbm>> -> memref<128x256xf32, #tpu.memory_space<hbm>>
          %dma_wait3A_73 = arith.constant 0 : i32
          %dma_wait3A_74 = tpu.memref_slice %arg9[%mul3A_25, %dma_wait3A_73] : memref<160000x256xf32, #tpu.memory_space<hbm>> -> memref<128x256xf32, #tpu.memory_space<hbm>>
          tpu.wait_dma2 semaphore(%run_scoped3A : memref<!tpu.dma_semaphore, #tpu.memory_space<semaphore_mem>>) src(%arg15 : memref<128x256xf32, #tpu.memory_space<vmem>>) dst(%dma_wait3A_74 : memref<128x256xf32, #tpu.memory_space<hbm>>)
          tpu.yield
        }) : () -> ()
      } else {
      }
    }
    %scan3A_11 = arith.constant 40 : i32
    %scan3A_12 = arith.constant 0 : i32
    %scan3A_13 = arith.constant 0 : i32
    %scan3A_14 = arith.constant 4 : i32
    %scan3A_15 = arith.addi %scan3A_13, %scan3A_14 : i32
    %scan3A_16 = arith.constant 1 : i32
    scf.for %scan3A_18 = %scan3A_13 to %scan3A_15 step %scan3A_16  : i32 {
      %mul3A_19 = arith.constant 32 : i32
      %mul3A_20 = arith.muli %mul3A_19, %scan3A_18 : i32
      %add3A_21 = arith.addi %add3A, %mul3A_20 : i32
      %lt3A = arith.constant 125 : i32
      %lt3A_22 = arith.cmpi slt, %add3A_21, %lt3A : i32
      %convert_element_type3A = arith.extui %lt3A_22 : i1 to i32
      %cond3A = arith.constant 0 : i32
      %cond3A_23 = arith.cmpi ne, %convert_element_type3A, %cond3A : i32
      scf.if %cond3A_23 {
        %mul3A_24 = arith.constant 80 : i32
        %mul3A_25 = arith.muli %add3A_21, %mul3A_24 : i32
        "tpu.region"() ({
          %run_scoped3A = tpu.sem_alloc : memref<!tpu.dma_semaphore, #tpu.memory_space<semaphore_mem>>
          %dma_start3A_36 = tpu.memref_slice %arg2[%mul3A_25] : memref<10000xi32, #tpu.memory_space<hbm>> -> memref<80xi32, #tpu.memory_space<hbm>>
          %dma_start3A_37 = tpu.memref_slice %arg2[%mul3A_25] : memref<10000xi32, #tpu.memory_space<hbm>> -> memref<80xi32, #tpu.memory_space<hbm>>
          tpu.enqueue_dma source(%dma_start3A_37 : memref<80xi32, #tpu.memory_space<hbm>>) target(%arg14 : memref<80xi32, #tpu.memory_space<vmem>>) target_semaphore(%run_scoped3A : memref<!tpu.dma_semaphore, #tpu.memory_space<semaphore_mem>>)
          %dma_wait3A_38 = tpu.memref_slice %arg2[%mul3A_25] : memref<10000xi32, #tpu.memory_space<hbm>> -> memref<80xi32, #tpu.memory_space<hbm>>
          %dma_wait3A_39 = tpu.memref_slice %arg2[%mul3A_25] : memref<10000xi32, #tpu.memory_space<hbm>> -> memref<80xi32, #tpu.memory_space<hbm>>
          tpu.wait_dma2 semaphore(%run_scoped3A : memref<!tpu.dma_semaphore, #tpu.memory_space<semaphore_mem>>) src(%dma_wait3A_39 : memref<80xi32, #tpu.memory_space<hbm>>) dst(%arg14 : memref<80xi32, #tpu.memory_space<vmem>>)
          tpu.yield
        }) : () -> ()
        %dma_start3A = arith.constant 0 : i32
        %dma_start3A_26 = arith.constant 0 : i32
        %dma_start3A_27 = tpu.memref_slice %arg15[%dma_start3A, %dma_start3A_26] : memref<128x256xf32, #tpu.memory_space<vmem>> -> memref<80x256xf32, #tpu.memory_space<vmem>>
        %dma_start3A_28 = arith.constant 0 : i32
        %dma_start3A_29 = arith.constant 0 : i32
        %dma_start3A_30 = tpu.memref_slice %arg7[%dma_start3A_28, %dma_start3A_29] : memref<10000x256xf32, #tpu.memory_space<hbm>> -> memref<10000x256xf32, #tpu.memory_space<hbm>>
        tpu.enqueue_indirect_dma source(%dma_start3A_30 : memref<10000x256xf32, #tpu.memory_space<hbm>>) target(%dma_start3A_27 : memref<80x256xf32, #tpu.memory_space<vmem>>) offsets(%arg14 : memref<80xi32, #tpu.memory_space<vmem>>) semaphore(%arg16 : memref<!tpu.dma_semaphore, #tpu.memory_space<semaphore_mem>>)
        %dma_wait3A = arith.constant 0 : i32
        %dma_wait3A_31 = arith.constant 0 : i32
        %dma_wait3A_32 = tpu.memref_slice %arg15[%dma_wait3A, %dma_wait3A_31] : memref<128x256xf32, #tpu.memory_space<vmem>> -> memref<80x256xf32, #tpu.memory_space<vmem>>
        %dma_wait3A_33 = arith.constant 0 : i32
        %dma_wait3A_34 = arith.constant 0 : i32
        %dma_wait3A_35 = tpu.memref_slice %arg7[%dma_wait3A_33, %dma_wait3A_34] : memref<10000x256xf32, #tpu.memory_space<hbm>> -> memref<10000x256xf32, #tpu.memory_space<hbm>>
        tpu.wait_indirect_dma semaphore(%arg16 : memref<!tpu.dma_semaphore, #tpu.memory_space<semaphore_mem>>) src(%dma_wait3A_35 : memref<10000x256xf32, #tpu.memory_space<hbm>>) dst(%dma_wait3A_32 : memref<80x256xf32, #tpu.memory_space<vmem>>)
        "tpu.region"() ({
          %run_scoped3A = tpu.sem_alloc : memref<!tpu.dma_semaphore, #tpu.memory_space<semaphore_mem>>
          %dma_start3A_36 = arith.constant 0 : i32
          %dma_start3A_37 = arith.constant 0 : i32
          %dma_start3A_38 = tpu.memref_slice %arg15[%dma_start3A_36, %dma_start3A_37] : memref<128x256xf32, #tpu.memory_space<vmem>> -> memref<80x256xf32, #tpu.memory_space<vmem>>
          %dma_start3A_39 = arith.constant 0 : i32
          %dma_start3A_40 = tpu.memref_slice %arg10[%mul3A_25, %dma_start3A_39] : memref<10000x256xf32, #tpu.memory_space<hbm>> -> memref<80x256xf32, #tpu.memory_space<hbm>>
          %dma_start3A_41 = arith.constant 0 : i32
          %dma_start3A_42 = tpu.memref_slice %arg10[%mul3A_25, %dma_start3A_41] : memref<10000x256xf32, #tpu.memory_space<hbm>> -> memref<80x256xf32, #tpu.memory_space<hbm>>
          %dma_start3A_43 = arith.constant 0 : i32
          %dma_start3A_44 = arith.constant 0 : i32
          %dma_start3A_45 = tpu.memref_slice %arg15[%dma_start3A_43, %dma_start3A_44] : memref<128x256xf32, #tpu.memory_space<vmem>> -> memref<80x256xf32, #tpu.memory_space<vmem>>
          tpu.enqueue_dma source(%dma_start3A_45 : memref<80x256xf32, #tpu.memory_space<vmem>>) target(%dma_start3A_42 : memref<80x256xf32, #tpu.memory_space<hbm>>) target_semaphore(%run_scoped3A : memref<!tpu.dma_semaphore, #tpu.memory_space<semaphore_mem>>)
          %dma_wait3A_46 = arith.constant 0 : i32
          %dma_wait3A_47 = arith.constant 0 : i32
          %dma_wait3A_48 = tpu.memref_slice %arg15[%dma_wait3A_46, %dma_wait3A_47] : memref<128x256xf32, #tpu.memory_space<vmem>> -> memref<80x256xf32, #tpu.memory_space<vmem>>
          %dma_wait3A_49 = arith.constant 0 : i32
          %dma_wait3A_50 = tpu.memref_slice %arg10[%mul3A_25, %dma_wait3A_49] : memref<10000x256xf32, #tpu.memory_space<hbm>> -> memref<80x256xf32, #tpu.memory_space<hbm>>
          %dma_wait3A_51 = arith.constant 0 : i32
          %dma_wait3A_52 = tpu.memref_slice %arg10[%mul3A_25, %dma_wait3A_51] : memref<10000x256xf32, #tpu.memory_space<hbm>> -> memref<80x256xf32, #tpu.memory_space<hbm>>
          %dma_wait3A_53 = arith.constant 0 : i32
          %dma_wait3A_54 = arith.constant 0 : i32
          %dma_wait3A_55 = tpu.memref_slice %arg15[%dma_wait3A_53, %dma_wait3A_54] : memref<128x256xf32, #tpu.memory_space<vmem>> -> memref<80x256xf32, #tpu.memory_space<vmem>>
          tpu.wait_dma2 semaphore(%run_scoped3A : memref<!tpu.dma_semaphore, #tpu.memory_space<semaphore_mem>>) src(%dma_wait3A_55 : memref<80x256xf32, #tpu.memory_space<vmem>>) dst(%dma_wait3A_52 : memref<80x256xf32, #tpu.memory_space<hbm>>)
          tpu.yield
        }) : () -> ()
      } else {
      }
    }
    %scan3A_17 = arith.constant 4 : i32
    return
  }
}

module attributes {stable_mosaic.version = 14 : i64} {
  func.func @_node_proj_body(%arg0: i32, %arg1: memref<2000x256xf32, #tpu.memory_space<vmem>>, %arg2: memref<256x256xf32, #tpu.memory_space<vmem>>, %arg3: memref<256x256xf32, #tpu.memory_space<vmem>>, %arg4: memref<2000x256xf32, #tpu.memory_space<vmem>>, %arg5: memref<2000x256xf32, #tpu.memory_space<vmem>>) attributes {dimension_semantics = [#tpu.dimension_semantics<arbitrary>], iteration_bounds = array<i64: 5>, scalar_prefetch = 0 : i64, scratch_operands = 0 : i64, tpu.core_type = #tpu.core_type<tc>, window_params = [{transform_indices = @transform_0, window_bounds = array<i64: 2000, 256>}, {pipeline_mode = #tpu.pipeline_mode<synchronous>, transform_indices = @transform_1, window_bounds = array<i64: 256, 256>}, {pipeline_mode = #tpu.pipeline_mode<synchronous>, transform_indices = @transform_2, window_bounds = array<i64: 256, 256>}, {transform_indices = @transform_3, window_bounds = array<i64: 2000, 256>}, {transform_indices = @transform_4, window_bounds = array<i64: 2000, 256>}]} {
    %get3A = arith.constant 0 : index
    %get3A_0 = arith.constant 0 : index
    %get3A_1 = vector.load %arg1[%get3A, %get3A_0] : memref<2000x256xf32, #tpu.memory_space<vmem>>, vector<2000x256xf32>
    %get3A_2 = arith.constant 0 : index
    %get3A_3 = arith.constant 0 : index
    %get3A_4 = vector.load %arg2[%get3A_2, %get3A_3] : memref<256x256xf32, #tpu.memory_space<vmem>>, vector<256x256xf32>
    %dot_general3A = arith.constant dense<0.000000e+00> : vector<2000x256xf32>
    %dot_general3A_5 = tpu.matmul %get3A_1, %get3A_4, %dot_general3A {dimension_numbers = #tpu.dot_dimension_numbers<[1], [0], [0], [1], [0, 0, 1, 1], [], []>, transpose_lhs_hint = false} : vector<2000x256xf32>, vector<256x256xf32>, vector<2000x256xf32> -> vector<2000x256xf32>
    %swap3A = arith.constant 0 : index
    %swap3A_6 = arith.constant 0 : index
    %swap3A_7 = vector.load %arg4[%swap3A, %swap3A_6] : memref<2000x256xf32, #tpu.memory_space<vmem>>, vector<2000x256xf32>
    tpu.vector_store %arg4[%swap3A, %swap3A_6], %dot_general3A_5 {strides = array<i32>} : memref<2000x256xf32, #tpu.memory_space<vmem>>, vector<2000x256xf32>,
    %get3A_8 = arith.constant 0 : index
    %get3A_9 = arith.constant 0 : index
    %get3A_10 = vector.load %arg3[%get3A_8, %get3A_9] : memref<256x256xf32, #tpu.memory_space<vmem>>, vector<256x256xf32>
    %dot_general3A_11 = arith.constant dense<0.000000e+00> : vector<2000x256xf32>
    %dot_general3A_12 = tpu.matmul %get3A_1, %get3A_10, %dot_general3A_11 {dimension_numbers = #tpu.dot_dimension_numbers<[1], [0], [0], [1], [0, 0, 1, 1], [], []>, transpose_lhs_hint = false} : vector<2000x256xf32>, vector<256x256xf32>, vector<2000x256xf32> -> vector<2000x256xf32>
    %swap3A_13 = arith.constant 0 : index
    %swap3A_14 = arith.constant 0 : index
    %swap3A_15 = vector.load %arg5[%swap3A_13, %swap3A_14] : memref<2000x256xf32, #tpu.memory_space<vmem>>, vector<2000x256xf32>
    tpu.vector_store %arg5[%swap3A_13, %swap3A_14], %dot_general3A_12 {strides = array<i32>} : memref<2000x256xf32, #tpu.memory_space<vmem>>, vector<2000x256xf32>,
    return
  }
  func.func @transform_0(%arg0: i32) -> (i32, i32) {
    %c0_i32 = arith.constant 0 : i32
    %c0_i32_0 = arith.constant 0 : i32
    return %arg0, %c0_i32 : i32, i32
  }
  func.func @transform_1(%arg0: i32) -> (i32, i32) {
    %c0_i32 = arith.constant 0 : i32
    %c0_i32_0 = arith.constant 0 : i32
    %c0_i32_1 = arith.constant 0 : i32
    return %c0_i32, %c0_i32_0 : i32, i32
  }
  func.func @transform_2(%arg0: i32) -> (i32, i32) {
    %c0_i32 = arith.constant 0 : i32
    %c0_i32_0 = arith.constant 0 : i32
    %c0_i32_1 = arith.constant 0 : i32
    return %c0_i32, %c0_i32_0 : i32, i32
  }
  func.func @transform_3(%arg0: i32) -> (i32, i32) {
    %c0_i32 = arith.constant 0 : i32
    %c0_i32_0 = arith.constant 0 : i32
    return %arg0, %c0_i32 : i32, i32
  }
  func.func @transform_4(%arg0: i32) -> (i32, i32) {
    %c0_i32 = arith.constant 0 : i32
    %c0_i32_0 = arith.constant 0 : i32
    return %arg0, %c0_i32 : i32, i32
  }
}

module attributes {stable_mosaic.version = 14 : i64} {
  func.func @_edge_body(%arg0: i32, %arg1: memref<2000x256xf32, #tpu.memory_space<vmem>>, %arg2: memref<2000x256xf32, #tpu.memory_space<vmem>>, %arg3: memref<2000x1xf32, #tpu.memory_space<vmem>>, %arg4: memref<2000x1xi32, #tpu.memory_space<vmem>>, %arg5: memref<1x256xf32, #tpu.memory_space<vmem>>, %arg6: memref<1x256xf32, #tpu.memory_space<vmem>>, %arg7: memref<16x256xf32, #tpu.memory_space<vmem>>, %arg8: memref<256x16xf32, #tpu.memory_space<vmem>>, %arg9: memref<16x256xf32, #tpu.memory_space<vmem>>, %arg10: memref<256x256xf32, #tpu.memory_space<vmem>>, %arg11: memref<256x256xf32, #tpu.memory_space<vmem>>, %arg12: memref<2000x256xf32, #tpu.memory_space<vmem>>, %arg13: memref<2000x128xf32, #tpu.memory_space<vmem>>) attributes {dimension_semantics = [#tpu.dimension_semantics<arbitrary>], iteration_bounds = array<i64: 80>, scalar_prefetch = 0 : i64, scratch_operands = 0 : i64, tpu.core_type = #tpu.core_type<tc>, window_params = [{transform_indices = @transform_0, window_bounds = array<i64: 2000, 256>}, {transform_indices = @transform_1, window_bounds = array<i64: 2000, 256>}, {transform_indices = @transform_2, window_bounds = array<i64: 2000, 1>}, {transform_indices = @transform_3, window_bounds = array<i64: 2000, 1>}, {pipeline_mode = #tpu.pipeline_mode<synchronous>, transform_indices = @transform_4, window_bounds = array<i64: 1, 256>}, {pipeline_mode = #tpu.pipeline_mode<synchronous>, transform_indices = @transform_5, window_bounds = array<i64: 1, 256>}, {pipeline_mode = #tpu.pipeline_mode<synchronous>, transform_indices = @transform_6, window_bounds = array<i64: 16, 256>}, {pipeline_mode = #tpu.pipeline_mode<synchronous>, transform_indices = @transform_7, window_bounds = array<i64: 256, 16>}, {pipeline_mode = #tpu.pipeline_mode<synchronous>, transform_indices = @transform_8, window_bounds = array<i64: 16, 256>}, {pipeline_mode = #tpu.pipeline_mode<synchronous>, transform_indices = @transform_9, window_bounds = array<i64: 256, 256>}, {pipeline_mode = #tpu.pipeline_mode<synchronous>, transform_indices = @transform_10, window_bounds = array<i64: 256, 256>}, {transform_indices = @transform_11, window_bounds = array<i64: 2000, 256>}, {transform_indices = @transform_12, window_bounds = array<i64: 2000, 128>}]} {
    %get3A = arith.constant 0 : index
    %get3A_0 = arith.constant 0 : index
    %get3A_1 = vector.load %arg3[%get3A, %get3A_0] : memref<2000x1xf32, #tpu.memory_space<vmem>>, vector<2000x1xf32>
    %get3A_2 = arith.constant 0 : index
    %get3A_3 = arith.constant 0 : index
    %get3A_4 = vector.load %arg5[%get3A_2, %get3A_3] : memref<1x256xf32, #tpu.memory_space<vmem>>, vector<1x256xf32>
    %mul3A = vector.broadcast %get3A_1 : vector<2000x1xf32> to vector<2000x256xf32>
    %mul3A_5 = vector.broadcast %get3A_4 : vector<1x256xf32> to vector<2000x256xf32>
    %mul3A_6 = arith.mulf %mul3A, %mul3A_5 : vector<2000x256xf32>
    %get3A_7 = arith.constant 0 : index
    %get3A_8 = arith.constant 0 : index
    %get3A_9 = vector.load %arg6[%get3A_7, %get3A_8] : memref<1x256xf32, #tpu.memory_space<vmem>>, vector<1x256xf32>
    %add3A = vector.broadcast %get3A_9 : vector<1x256xf32> to vector<2000x256xf32>
    %add3A_10 = arith.addf %mul3A_6, %add3A : vector<2000x256xf32>
    %cos3A = math.cos %add3A_10 : vector<2000x256xf32>
    %get3A_11 = arith.constant 0 : index
    %get3A_12 = arith.constant 0 : index
    %get3A_13 = vector.load %arg4[%get3A_11, %get3A_12] : memref<2000x1xi32, #tpu.memory_space<vmem>>, vector<2000x1xi32>
    %iota3A = tpu.iota {dimensions = array<i32: 1>} : vector<2000x16xi32>
    %eq3A = vector.broadcast %get3A_13 : vector<2000x1xi32> to vector<2000x16xi32>
    %eq3A_14 = arith.cmpi eq, %eq3A, %iota3A : vector<2000x16xi32>
    %convert_element_type3A = arith.extui %eq3A_14 : vector<2000x16xi1> to vector<2000x16xi32>
    %convert_element_type3A_15 = arith.sitofp %convert_element_type3A : vector<2000x16xi32> to vector<2000x16xf32>
    %get3A_16 = arith.constant 0 : index
    %get3A_17 = arith.constant 0 : index
    %get3A_18 = vector.load %arg1[%get3A_16, %get3A_17] : memref<2000x256xf32, #tpu.memory_space<vmem>>, vector<2000x256xf32>
    %add3A_19 = arith.addf %get3A_18, %cos3A : vector<2000x256xf32>
    %get3A_20 = arith.constant 0 : index
    %get3A_21 = arith.constant 0 : index
    %get3A_22 = vector.load %arg7[%get3A_20, %get3A_21] : memref<16x256xf32, #tpu.memory_space<vmem>>, vector<16x256xf32>
    %dot_general3A = arith.constant dense<0.000000e+00> : vector<2000x256xf32>
    %dot_general3A_23 = tpu.matmul %convert_element_type3A_15, %get3A_22, %dot_general3A {dimension_numbers = #tpu.dot_dimension_numbers<[1], [0], [0], [1], [0, 0, 1, 1], [], []>, transpose_lhs_hint = false} : vector<2000x16xf32>, vector<16x256xf32>, vector<2000x256xf32> -> vector<2000x256xf32>
    %add3A_24 = arith.addf %add3A_19, %dot_general3A_23 : vector<2000x256xf32>
    %get3A_25 = arith.constant 0 : index
    %get3A_26 = arith.constant 0 : index
    %get3A_27 = vector.load %arg10[%get3A_25, %get3A_26] : memref<256x256xf32, #tpu.memory_space<vmem>>, vector<256x256xf32>
    %dot_general3A_28 = arith.constant dense<0.000000e+00> : vector<2000x256xf32>
    %dot_general3A_29 = tpu.matmul %add3A_24, %get3A_27, %dot_general3A_28 {dimension_numbers = #tpu.dot_dimension_numbers<[1], [0], [0], [1], [0, 0, 1, 1], [], []>, transpose_lhs_hint = false} : vector<2000x256xf32>, vector<256x256xf32>, vector<2000x256xf32> -> vector<2000x256xf32>
    %get3A_30 = arith.constant 0 : index
    %get3A_31 = arith.constant 0 : index
    %get3A_32 = vector.load %arg11[%get3A_30, %get3A_31] : memref<256x256xf32, #tpu.memory_space<vmem>>, vector<256x256xf32>
    %dot_general3A_33 = arith.constant dense<0.000000e+00> : vector<2000x256xf32>
    %dot_general3A_34 = tpu.matmul %add3A_24, %get3A_32, %dot_general3A_33 {dimension_numbers = #tpu.dot_dimension_numbers<[1], [0], [0], [1], [0, 0, 1, 1], [], []>, transpose_lhs_hint = false} : vector<2000x256xf32>, vector<256x256xf32>, vector<2000x256xf32> -> vector<2000x256xf32>
    %get3A_35 = arith.constant 0 : index
    %get3A_36 = arith.constant 0 : index
    %get3A_37 = vector.load %arg2[%get3A_35, %get3A_36] : memref<2000x256xf32, #tpu.memory_space<vmem>>, vector<2000x256xf32>
    %mul3A_38 = arith.mulf %get3A_37, %dot_general3A_29 : vector<2000x256xf32>
    %get3A_39 = arith.constant 0 : index
    %get3A_40 = arith.constant 0 : index
    %get3A_41 = vector.load %arg8[%get3A_39, %get3A_40] : memref<256x16xf32, #tpu.memory_space<vmem>>, vector<256x16xf32>
    %dot_general3A_42 = arith.constant dense<0.000000e+00> : vector<2000x16xf32>
    %dot_general3A_43 = tpu.matmul %mul3A_38, %get3A_41, %dot_general3A_42 {dimension_numbers = #tpu.dot_dimension_numbers<[1], [0], [0], [1], [0, 0, 1, 1], [], []>, transpose_lhs_hint = false} : vector<2000x256xf32>, vector<256x16xf32>, vector<2000x16xf32> -> vector<2000x16xf32>
    %mul3A_44 = arith.constant 0.176776692 : f32
    %mul3A_45 = vector.broadcast %mul3A_44 : f32 to vector<2000x16xf32>
    %mul3A_46 = arith.mulf %dot_general3A_43, %mul3A_45 : vector<2000x16xf32>
    %exp3A = math.exp %mul3A_46 : vector<2000x16xf32>
    %broadcast_in_dim3A = arith.constant 0.000000e+00 : f32
    %broadcast_in_dim3A_47 = vector.broadcast %broadcast_in_dim3A : f32 to vector<2000x112xf32>
    %concatenate3A = tpu.concatenate %exp3A, %broadcast_in_dim3A_47 in 1 : vector<2000x16xf32>, vector<2000x112xf32> -> vector<2000x128xf32>
    %swap3A = arith.constant 0 : index
    %swap3A_48 = arith.constant 0 : index
    %swap3A_49 = vector.load %arg13[%swap3A, %swap3A_48] : memref<2000x128xf32, #tpu.memory_space<vmem>>, vector<2000x128xf32>
    tpu.vector_store %arg13[%swap3A, %swap3A_48], %concatenate3A {strides = array<i32>} : memref<2000x128xf32, #tpu.memory_space<vmem>>, vector<2000x128xf32>,
    %get3A_50 = arith.constant 0 : index
    %get3A_51 = arith.constant 0 : index
    %get3A_52 = vector.load %arg9[%get3A_50, %get3A_51] : memref<16x256xf32, #tpu.memory_space<vmem>>, vector<16x256xf32>
    %dot_general3A_53 = arith.constant dense<0.000000e+00> : vector<2000x256xf32>
    %dot_general3A_54 = tpu.matmul %exp3A, %get3A_52, %dot_general3A_53 {dimension_numbers = #tpu.dot_dimension_numbers<[1], [0], [0], [1], [0, 0, 1, 1], [], []>, transpose_lhs_hint = false} : vector<2000x16xf32>, vector<16x256xf32>, vector<2000x256xf32> -> vector<2000x256xf32>
    %mul3A_55 = arith.mulf %dot_general3A_34, %dot_general3A_54 : vector<2000x256xf32>
    %swap3A_56 = arith.constant 0 : index
    %swap3A_57 = arith.constant 0 : index
    %swap3A_58 = vector.load %arg12[%swap3A_56, %swap3A_57] : memref<2000x256xf32, #tpu.memory_space<vmem>>, vector<2000x256xf32>
    tpu.vector_store %arg12[%swap3A_56, %swap3A_57], %mul3A_55 {strides = array<i32>} : memref<2000x256xf32, #tpu.memory_space<vmem>>, vector<2000x256xf32>,
    return
  }
  func.func @transform_0(%arg0: i32) -> (i32, i32) {
    %c0_i32 = arith.constant 0 : i32
    %c0_i32_0 = arith.constant 0 : i32
    return %arg0, %c0_i32 : i32, i32
  }
  func.func @transform_1(%arg0: i32) -> (i32, i32) {
    %c0_i32 = arith.constant 0 : i32
    %c0_i32_0 = arith.constant 0 : i32
    return %arg0, %c0_i32 : i32, i32
  }
  func.func @transform_2(%arg0: i32) -> (i32, i32) {
    %c0_i32 = arith.constant 0 : i32
    %c0_i32_0 = arith.constant 0 : i32
    return %arg0, %c0_i32 : i32, i32
  }
  func.func @transform_3(%arg0: i32) -> (i32, i32) {
    %c0_i32 = arith.constant 0 : i32
    %c0_i32_0 = arith.constant 0 : i32
    return %arg0, %c0_i32 : i32, i32
  }
  func.func @transform_4(%arg0: i32) -> (i32, i32) {
    %c0_i32 = arith.constant 0 : i32
    %c0_i32_0 = arith.constant 0 : i32
    %c0_i32_1 = arith.constant 0 : i32
    return %c0_i32, %c0_i32_0 : i32, i32
  }
  func.func @transform_5(%arg0: i32) -> (i32, i32) {
    %c0_i32 = arith.constant 0 : i32
    %c0_i32_0 = arith.constant 0 : i32
    %c0_i32_1 = arith.constant 0 : i32
    return %c0_i32, %c0_i32_0 : i32, i32
  }
  func.func @transform_6(%arg0: i32) -> (i32, i32) {
    %c0_i32 = arith.constant 0 : i32
    %c0_i32_0 = arith.constant 0 : i32
    %c0_i32_1 = arith.constant 0 : i32
    return %c0_i32, %c0_i32_0 : i32, i32
  }
  func.func @transform_7(%arg0: i32) -> (i32, i32) {
    %c0_i32 = arith.constant 0 : i32
    %c0_i32_0 = arith.constant 0 : i32
    %c0_i32_1 = arith.constant 0 : i32
    return %c0_i32, %c0_i32_0 : i32, i32
  }
  func.func @transform_8(%arg0: i32) -> (i32, i32) {
    %c0_i32 = arith.constant 0 : i32
    %c0_i32_0 = arith.constant 0 : i32
    %c0_i32_1 = arith.constant 0 : i32
    return %c0_i32, %c0_i32_0 : i32, i32
  }
  func.func @transform_9(%arg0: i32) -> (i32, i32) {
    %c0_i32 = arith.constant 0 : i32
    %c0_i32_0 = arith.constant 0 : i32
    %c0_i32_1 = arith.constant 0 : i32
    return %c0_i32, %c0_i32_0 : i32, i32
  }
  func.func @transform_10(%arg0: i32) -> (i32, i32) {
    %c0_i32 = arith.constant 0 : i32
    %c0_i32_0 = arith.constant 0 : i32
    %c0_i32_1 = arith.constant 0 : i32
    return %c0_i32, %c0_i32_0 : i32, i32
  }
  func.func @transform_11(%arg0: i32) -> (i32, i32) {
    %c0_i32 = arith.constant 0 : i32
    %c0_i32_0 = arith.constant 0 : i32
    return %arg0, %c0_i32 : i32, i32
  }
  func.func @transform_12(%arg0: i32) -> (i32, i32) {
    %c0_i32 = arith.constant 0 : i32
    %c0_i32_0 = arith.constant 0 : i32
    return %arg0, %c0_i32 : i32, i32
  }
}

module attributes {stable_mosaic.version = 14 : i64} {
  func.func @_mix_body(%arg0: i32, %arg1: memref<2000x256xf32, #tpu.memory_space<vmem>>, %arg2: memref<2000x256xf32, #tpu.memory_space<vmem>>, %arg3: memref<2000x128xf32, #tpu.memory_space<vmem>>, %arg4: memref<2000x128xf32, #tpu.memory_space<vmem>>, %arg5: memref<128x256xf32, #tpu.memory_space<vmem>>, %arg6: memref<2000x256xf32, #tpu.memory_space<vmem>>, %arg7: memref<2x256xf32, #tpu.memory_space<vmem>>) attributes {dimension_semantics = [#tpu.dimension_semantics<arbitrary>], iteration_bounds = array<i64: 5>, scalar_prefetch = 0 : i64, scratch_operands = 0 : i64, tpu.core_type = #tpu.core_type<tc>, window_params = [{transform_indices = @transform_0, window_bounds = array<i64: 2000, 256>}, {transform_indices = @transform_1, window_bounds = array<i64: 2000, 256>}, {transform_indices = @transform_2, window_bounds = array<i64: 2000, 128>}, {transform_indices = @transform_3, window_bounds = array<i64: 2000, 128>}, {pipeline_mode = #tpu.pipeline_mode<synchronous>, transform_indices = @transform_4, window_bounds = array<i64: 128, 256>}, {transform_indices = @transform_5, window_bounds = array<i64: 2000, 256>}, {pipeline_mode = #tpu.pipeline_mode<synchronous>, transform_indices = @transform_6, window_bounds = array<i64: 2, 256>}]} {
    %get3A = arith.constant 0 : index
    %get3A_0 = arith.constant 0 : index
    %get3A_1 = vector.load %arg3[%get3A, %get3A_0] : memref<2000x128xf32, #tpu.memory_space<vmem>>, vector<2000x128xf32>
    %get3A_2 = arith.constant 0 : index
    %get3A_3 = arith.constant 0 : index
    %get3A_4 = vector.load %arg4[%get3A_2, %get3A_3] : memref<2000x128xf32, #tpu.memory_space<vmem>>, vector<2000x128xf32>
    %add3A = arith.addf %get3A_1, %get3A_4 : vector<2000x128xf32>
    %add3A_5 = arith.constant 1.000000e-16 : f32
    %add3A_6 = vector.broadcast %add3A_5 : f32 to vector<2000x128xf32>
    %add3A_7 = arith.addf %add3A, %add3A_6 : vector<2000x128xf32>
    %div3A = arith.constant 1.000000e+00 : f32
    %div3A_8 = vector.broadcast %div3A : f32 to vector<2000x128xf32>
    %div3A_9 = arith.divf %div3A_8, %add3A_7 : vector<2000x128xf32>
    %get3A_10 = arith.constant 0 : index
    %get3A_11 = arith.constant 0 : index
    %get3A_12 = vector.load %arg5[%get3A_10, %get3A_11] : memref<128x256xf32, #tpu.memory_space<vmem>>, vector<128x256xf32>
    %dot_general3A = arith.constant dense<0.000000e+00> : vector<2000x256xf32>
    %dot_general3A_13 = tpu.matmul %div3A_9, %get3A_12, %dot_general3A {dimension_numbers = #tpu.dot_dimension_numbers<[1], [0], [0], [1], [0, 0, 1, 1], [], []>, transpose_lhs_hint = false} : vector<2000x128xf32>, vector<128x256xf32>, vector<2000x256xf32> -> vector<2000x256xf32>
    %get3A_14 = arith.constant 0 : index
    %get3A_15 = arith.constant 0 : index
    %get3A_16 = vector.load %arg1[%get3A_14, %get3A_15] : memref<2000x256xf32, #tpu.memory_space<vmem>>, vector<2000x256xf32>
    %get3A_17 = arith.constant 0 : index
    %get3A_18 = arith.constant 0 : index
    %get3A_19 = vector.load %arg2[%get3A_17, %get3A_18] : memref<2000x256xf32, #tpu.memory_space<vmem>>, vector<2000x256xf32>
    %mul3A = arith.constant 5.000000e-01 : f32
    %mul3A_20 = vector.broadcast %mul3A : f32 to vector<2000x256xf32>
    %mul3A_21 = arith.mulf %mul3A_20, %get3A_19 : vector<2000x256xf32>
    %mul3A_22 = arith.mulf %mul3A_21, %dot_general3A_13 : vector<2000x256xf32>
    %add3A_23 = arith.addf %get3A_16, %mul3A_22 : vector<2000x256xf32>
    %swap3A = arith.constant 0 : index
    %swap3A_24 = arith.constant 0 : index
    %swap3A_25 = vector.load %arg6[%swap3A, %swap3A_24] : memref<2000x256xf32, #tpu.memory_space<vmem>>, vector<2000x256xf32>
    tpu.vector_store %arg6[%swap3A, %swap3A_24], %add3A_23 {strides = array<i32>} : memref<2000x256xf32, #tpu.memory_space<vmem>>, vector<2000x256xf32>,
    %reduce_sum3A = arith.constant dense<0.000000e+00> : vector<256xf32>
    %reduce_sum3A_26 = vector.multi_reduction <add>, %add3A_23, %reduce_sum3A [0] : vector<2000x256xf32> to vector<256xf32>
    %broadcast_in_dim3A = vector.shape_cast %reduce_sum3A_26 : vector<256xf32> to vector<1x256xf32>
    %mul3A_27 = arith.mulf %add3A_23, %add3A_23 : vector<2000x256xf32>
    %reduce_sum3A_28 = arith.constant dense<0.000000e+00> : vector<256xf32>
    %reduce_sum3A_29 = vector.multi_reduction <add>, %mul3A_27, %reduce_sum3A_28 [0] : vector<2000x256xf32> to vector<256xf32>
    %broadcast_in_dim3A_30 = vector.shape_cast %reduce_sum3A_29 : vector<256xf32> to vector<1x256xf32>
    %concatenate3A = tpu.concatenate %broadcast_in_dim3A, %broadcast_in_dim3A_30 in 0 : vector<1x256xf32>, vector<1x256xf32> -> vector<2x256xf32>
    %eq3A = arith.constant 0 : i32
    %eq3A_31 = arith.cmpi eq, %arg0, %eq3A : i32
    %convert_element_type3A = arith.extui %eq3A_31 : i1 to i32
    %cond3A = arith.constant 0 : i32
    %cond3A_32 = arith.cmpi ne, %convert_element_type3A, %cond3A : i32
    scf.if %cond3A_32 {
      %swap3A_37 = arith.constant 0 : index
      %swap3A_38 = arith.constant 0 : index
      %swap3A_39 = vector.load %arg7[%swap3A_37, %swap3A_38] : memref<2x256xf32, #tpu.memory_space<vmem>>, vector<2x256xf32>
      tpu.vector_store %arg7[%swap3A_37, %swap3A_38], %concatenate3A {strides = array<i32>} : memref<2x256xf32, #tpu.memory_space<vmem>>, vector<2x256xf32>,
    } else {
    }
    %gt3A = arith.constant 0 : i32
    %gt3A_33 = arith.cmpi sgt, %arg0, %gt3A : i32
    %convert_element_type3A_34 = arith.extui %gt3A_33 : i1 to i32
    %cond3A_35 = arith.constant 0 : i32
    %cond3A_36 = arith.cmpi ne, %convert_element_type3A_34, %cond3A_35 : i32
    scf.if %cond3A_36 {
      %get3A_37 = arith.constant 0 : index
      %get3A_38 = arith.constant 0 : index
      %get3A_39 = vector.load %arg7[%get3A_37, %get3A_38] : memref<2x256xf32, #tpu.memory_space<vmem>>, vector<2x256xf32>
      %add3A_40 = arith.addf %get3A_39, %concatenate3A : vector<2x256xf32>
      %swap3A_41 = arith.constant 0 : index
      %swap3A_42 = arith.constant 0 : index
      %swap3A_43 = vector.load %arg7[%swap3A_41, %swap3A_42] : memref<2x256xf32, #tpu.memory_space<vmem>>, vector<2x256xf32>
      tpu.vector_store %arg7[%swap3A_41, %swap3A_42], %add3A_40 {strides = array<i32>} : memref<2x256xf32, #tpu.memory_space<vmem>>, vector<2x256xf32>,
    } else {
    }
    return
  }
  func.func @transform_0(%arg0: i32) -> (i32, i32) {
    %c0_i32 = arith.constant 0 : i32
    %c0_i32_0 = arith.constant 0 : i32
    return %arg0, %c0_i32 : i32, i32
  }
  func.func @transform_1(%arg0: i32) -> (i32, i32) {
    %c0_i32 = arith.constant 0 : i32
    %c0_i32_0 = arith.constant 0 : i32
    return %arg0, %c0_i32 : i32, i32
  }
  func.func @transform_2(%arg0: i32) -> (i32, i32) {
    %c0_i32 = arith.constant 0 : i32
    %c0_i32_0 = arith.constant 0 : i32
    return %arg0, %c0_i32 : i32, i32
  }
  func.func @transform_3(%arg0: i32) -> (i32, i32) {
    %add3A = arith.constant 5 : i32
    %add3A_0 = arith.addi %arg0, %add3A : i32
    %c0_i32 = arith.constant 0 : i32
    %c0_i32_1 = arith.constant 0 : i32
    return %add3A_0, %c0_i32 : i32, i32
  }
  func.func @transform_4(%arg0: i32) -> (i32, i32) {
    %c0_i32 = arith.constant 0 : i32
    %c0_i32_0 = arith.constant 0 : i32
    %c0_i32_1 = arith.constant 0 : i32
    return %c0_i32, %c0_i32_0 : i32, i32
  }
  func.func @transform_5(%arg0: i32) -> (i32, i32) {
    %c0_i32 = arith.constant 0 : i32
    %c0_i32_0 = arith.constant 0 : i32
    return %arg0, %c0_i32 : i32, i32
  }
  func.func @transform_6(%arg0: i32) -> (i32, i32) {
    %c0_i32 = arith.constant 0 : i32
    %c0_i32_0 = arith.constant 0 : i32
    %c0_i32_1 = arith.constant 0 : i32
    return %c0_i32, %c0_i32_0 : i32, i32
  }
}

module attributes {stable_mosaic.version = 14 : i64} {
  func.func @_bn_body(%arg0: i32, %arg1: memref<2000x256xf32, #tpu.memory_space<vmem>>, %arg2: memref<2x256xf32, #tpu.memory_space<vmem>>, %arg3: memref<1x256xf32, #tpu.memory_space<vmem>>, %arg4: memref<1x256xf32, #tpu.memory_space<vmem>>, %arg5: memref<2000x256xf32, #tpu.memory_space<vmem>>) attributes {dimension_semantics = [#tpu.dimension_semantics<arbitrary>], iteration_bounds = array<i64: 5>, scalar_prefetch = 0 : i64, scratch_operands = 0 : i64, tpu.core_type = #tpu.core_type<tc>, window_params = [{transform_indices = @transform_0, window_bounds = array<i64: 2000, 256>}, {pipeline_mode = #tpu.pipeline_mode<synchronous>, transform_indices = @transform_1, window_bounds = array<i64: 2, 256>}, {pipeline_mode = #tpu.pipeline_mode<synchronous>, transform_indices = @transform_2, window_bounds = array<i64: 1, 256>}, {pipeline_mode = #tpu.pipeline_mode<synchronous>, transform_indices = @transform_3, window_bounds = array<i64: 1, 256>}, {transform_indices = @transform_4, window_bounds = array<i64: 2000, 256>}]} {
    %get3A = arith.constant 0 : index
    %get3A_0 = arith.constant 0 : index
    %get3A_1 = vector.load %arg2[%get3A, %get3A_0] : memref<2x256xf32, #tpu.memory_space<vmem>>, vector<2x256xf32>
    %slice3A = vector.extract_strided_slice %get3A_1 {offsets = [0, 0], sizes = [1, 256], strides = [1, 1]} : vector<2x256xf32> to vector<1x256xf32>
    %mul3A = arith.constant 9.99999974E-5 : f32
    %mul3A_2 = vector.broadcast %mul3A : f32 to vector<1x256xf32>
    %mul3A_3 = arith.mulf %slice3A, %mul3A_2 : vector<1x256xf32>
    %slice3A_4 = vector.extract_strided_slice %get3A_1 {offsets = [1, 0], sizes = [1, 256], strides = [1, 1]} : vector<2x256xf32> to vector<1x256xf32>
    %mul3A_5 = arith.constant 9.99999974E-5 : f32
    %mul3A_6 = vector.broadcast %mul3A_5 : f32 to vector<1x256xf32>
    %mul3A_7 = arith.mulf %slice3A_4, %mul3A_6 : vector<1x256xf32>
    %mul3A_8 = arith.mulf %mul3A_3, %mul3A_3 : vector<1x256xf32>
    %sub3A = arith.subf %mul3A_7, %mul3A_8 : vector<1x256xf32>
    %get3A_9 = arith.constant 0 : index
    %get3A_10 = arith.constant 0 : index
    %get3A_11 = vector.load %arg3[%get3A_9, %get3A_10] : memref<1x256xf32, #tpu.memory_space<vmem>>, vector<1x256xf32>
    %add3A = arith.constant 9.99999974E-6 : f32
    %add3A_12 = vector.broadcast %add3A : f32 to vector<1x256xf32>
    %add3A_13 = arith.addf %sub3A, %add3A_12 : vector<1x256xf32>
    %rsqrt3A = math.rsqrt %add3A_13 : vector<1x256xf32>
    %mul3A_14 = arith.mulf %get3A_11, %rsqrt3A : vector<1x256xf32>
    %get3A_15 = arith.constant 0 : index
    %get3A_16 = arith.constant 0 : index
    %get3A_17 = vector.load %arg4[%get3A_15, %get3A_16] : memref<1x256xf32, #tpu.memory_space<vmem>>, vector<1x256xf32>
    %mul3A_18 = arith.mulf %mul3A_3, %mul3A_14 : vector<1x256xf32>
    %sub3A_19 = arith.subf %get3A_17, %mul3A_18 : vector<1x256xf32>
    %get3A_20 = arith.constant 0 : index
    %get3A_21 = arith.constant 0 : index
    %get3A_22 = vector.load %arg1[%get3A_20, %get3A_21] : memref<2000x256xf32, #tpu.memory_space<vmem>>, vector<2000x256xf32>
    %mul3A_23 = vector.broadcast %mul3A_14 : vector<1x256xf32> to vector<2000x256xf32>
    %mul3A_24 = arith.mulf %get3A_22, %mul3A_23 : vector<2000x256xf32>
    %add3A_25 = vector.broadcast %sub3A_19 : vector<1x256xf32> to vector<2000x256xf32>
    %add3A_26 = arith.addf %mul3A_24, %add3A_25 : vector<2000x256xf32>
    %gt3A = arith.constant 0.000000e+00 : f32
    %gt3A_27 = vector.broadcast %gt3A : f32 to vector<2000x256xf32>
    %gt3A_28 = arith.cmpf ogt, %add3A_26, %gt3A_27 : vector<2000x256xf32>
    %exp3A = math.exp %add3A_26 : vector<2000x256xf32>
    %sub3A_29 = arith.constant 1.000000e+00 : f32
    %sub3A_30 = vector.broadcast %sub3A_29 : f32 to vector<2000x256xf32>
    %sub3A_31 = arith.subf %exp3A, %sub3A_30 : vector<2000x256xf32>
    %select_n3A = arith.select %gt3A_28, %add3A_26, %sub3A_31 : vector<2000x256xi1>, vector<2000x256xf32>
    %swap3A = arith.constant 0 : index
    %swap3A_32 = arith.constant 0 : index
    %swap3A_33 = vector.load %arg5[%swap3A, %swap3A_32] : memref<2000x256xf32, #tpu.memory_space<vmem>>, vector<2000x256xf32>
    tpu.vector_store %arg5[%swap3A, %swap3A_32], %select_n3A {strides = array<i32>} : memref<2000x256xf32, #tpu.memory_space<vmem>>, vector<2000x256xf32>,
    return
  }
  func.func @transform_0(%arg0: i32) -> (i32, i32) {
    %c0_i32 = arith.constant 0 : i32
    %c0_i32_0 = arith.constant 0 : i32
    return %arg0, %c0_i32 : i32, i32
  }
  func.func @transform_1(%arg0: i32) -> (i32, i32) {
    %c0_i32 = arith.constant 0 : i32
    %c0_i32_0 = arith.constant 0 : i32
    %c0_i32_1 = arith.constant 0 : i32
    return %c0_i32, %c0_i32_0 : i32, i32
  }
  func.func @transform_2(%arg0: i32) -> (i32, i32) {
    %c0_i32 = arith.constant 0 : i32
    %c0_i32_0 = arith.constant 0 : i32
    %c0_i32_1 = arith.constant 0 : i32
    return %c0_i32, %c0_i32_0 : i32, i32
  }
  func.func @transform_3(%arg0: i32) -> (i32, i32) {
    %c0_i32 = arith.constant 0 : i32
    %c0_i32_0 = arith.constant 0 : i32
    %c0_i32_1 = arith.constant 0 : i32
    return %c0_i32, %c0_i32_0 : i32, i32
  }
  func.func @transform_4(%arg0: i32) -> (i32, i32) {
    %c0_i32 = arith.constant 0 : i32
    %c0_i32_0 = arith.constant 0 : i32
    return %arg0, %c0_i32 : i32, i32
  }
}

</mosaic_0001>

<sc_bundles>
// kernel: kernel.12.cloned.1.call-start
scs
__scs_entry_jumppad:
0x0: {  	(pc) =	sbr.rel $0x88, $3  }
0x1: {  	(tag) =	ssettag $0x0;
	lr =	simm.s32 $0x1  }
0x2: {  	[smem:$0x3F92] =	sst lr;
	_ =	strace $0xD0000000  }
0x3: {  	_ = 	snop  }
0x4: {  	_ = 	snop  }
0x5: {  	_ = 	snop  }
0x6: {  	_ = 	snop  }
0x7: {  	_ = 	snop  }
__scs_overlays_trampoline_lowered:
0x8: {  	[smem:$0x3FA1] =	sst s0  }
0x9: {  	[smem:$0x3FA2] =	sst s1  }
0xa: {  	[smem:$0x3FA3] =	sst s2  }
0xb: {  	[smem:$0x3FA4] =	sst s3  }
0xc: {  	[smem:$0x3FA5] =	sst s4  }
0xd: {  	[smem:$0x3FA6] =	sst s5  }
0xe: {  	[smem:$0x3FA7] =	sst s6  }
0xf: {  	[smem:$0x3FA8] =	sst s7  }
0x10: {  	[smem:$0x3FA9] =	sst s8  }
0x11: {  	[smem:$0x3FAA] =	sst s9;
	s0 =	simm.s32 @!p0 $0x0  }
0x12: {  	s1 =	sld [smem:$0x3F90];
	s0 =	simm.s32 @p0 $0x1  }
0x13: {  	[smem:$0x3FAB] =	sst s0;
	s0 =	simm.s32 @!p1 $0x0  }
0x14: {  	s2 =	sld [smem:$0x3F8F];
	s0 =	simm.s32 @p1 $0x1  }
0x15: {  	[smem:$0x3FAC] =	sst s0;
	s0 =	simm.s32 @!p2 $0x0  }
0x16: {  	s3 =	sld [smem:$0x3FDB];
	s0 =	simm.s32 @p2 $0x1  }
0x17: {  	s4 =	simm.s32 $0x1BF5;
	[smem:$0x3FAE] =	sst s0  }
0x18: {  	s0 =	sld [smem:$0x3F91];
	_ =	swait.ge [sflag:s4], $0x0  }
0x19: {  	s7 =	sld [smem:$0x3F92]  }
0x1a: {  	s8 =	sadd.s32 $0xFFFFE003, lr  }
0x1b: {  	s9 =	sadd.s32 $0xFFFFFEF7, lr;
	s5 =	simm.s32 $0xFFFFFFFF;
	p2 =	slt.u32 s8, $0xFFFFF086  }
0x1c: {  	p1 =	slt.u32 s9, $0xF7A;
	s5 =	simm.s32 @!p2 $0x0  }
0x1d: {  	s5 =	simm.s32 @p1 $0x1;
	p0 =	seq.s32 s7, s2  }
0x1e: {  	s7 =	smul.u32 @!p0 $0xF7A, s2;
	p2 =	seq.s32 @!p0 s5, $0x0  }
0x1f: {  	s9 =	smul.u32 $0xF7A, s1;
	s8 =	simm.s32 @!p0 $0x1BF5;
	p2 =	por !p2, p0  }
0x20: {  	[sflag:s8] =	ssyncset.s32 @!p0 $0xFFFFF086;
	s6 =	sadd.s32 @!p0 s3, s7;
	s7 =	simm.s32 @!p0 $0x108  }
0x21: {  	s3 =	sadd.s32 s3, s9;
	s6 =	sadd.s32 @!p0 $0x88, s6;
	s7 =	simm.s32 @p2 $0x1082  }
0x22: {  	[simem:s7], [sflag:s8] =	dma.local @!p0 [hbm:s6], $0xF7A  }
0x23: {  	s9 =	sor.u32 $0xD0000000, s2;
	s6 =	simm.s32 $0x108;
	_ =	swait.ge @!p0 [sflag:s8], $0x0  }
0x24: {  	s3 =	sadd.s32 $0x88, s3;
	s6 =	simm.s32 @!p1 $0x1082;
	[sflag:s4] =	ssyncset.s32 $0xFFFFF086  }
0x25: {  	[simem:s6], [sflag:s4] =	dma.local [hbm:s3], $0xF7A  }
0x26: {  	[smem:$0x3F92] =	sst s1;
	(tag) =	ssettag s2;
	_ =	strace s9  }
0x27: {  	s1 =	sld [smem:$0x3FA2]  }
0x28: {  	s2 =	sld [smem:$0x3FA3]  }
0x29: {  	s4 =	sld [smem:$0x3FA5]  }
0x2a: {  	p0 =	seq.s32 s5, $0x0;
	s5 =	sld [smem:$0x3FA6]  }
0x2b: {  	s6 =	sld [smem:$0x3FA7]  }
0x2c: {  	s7 =	sld [smem:$0x3FA8]  }
0x2d: {  	s3 =	simm.s32 $0x108;
	s8 =	sld [smem:$0x3FA9]  }
0x2e: {  	s3 =	simm.s32 @!p0 $0x1082;
	s9 =	sld [smem:$0x3FAA]  }
0x2f: {  	lr =	sadd.s32 s0, s3;
	s0 =	sld [smem:$0x3FA1]  }
0x30: {  	s3 =	sld [smem:$0x3FA4]  }
0x31: {  	[smem:$0x3FAD] =	sst s10  }
0x32: {  	s10 =	sld [smem:$0x3FAB];
	_ =	sdelay $0x3  }
0x33: {  	p0 =	seq.s32 s10, $0x1;
	s10 =	sld [smem:$0x3FAD];
	_ =	sdelay $0x3  }
0x34: {  	[smem:$0x3FAD] =	sst s10  }
0x35: {  	s10 =	sld [smem:$0x3FAC];
	_ =	sdelay $0x3  }
0x36: {  	p1 =	seq.s32 s10, $0x1;
	s10 =	sld [smem:$0x3FAD];
	_ =	sdelay $0x3  }
0x37: {  	[smem:$0x3FAD] =	sst s10  }
0x38: {  	s10 =	sld [smem:$0x3FAE]  }
0x39: {  	_ = 	snop;
	(pc) =	sbr.ind lr, $3  }
0x3a: {  	_ = 	snop  }
0x3b: {  	_ = 	snop  }
0x3c: {  	p2 =	seq.s32 s10, $0x1;
	s10 =	sld [smem:$0x3FAD]  }
0x3d: {  	_ =	shalt  }
0x3e: {  	_ =	shalt  }
0x3f: {  	_ =	shalt  }
0x40: {  	_ =	shalt  }
0x41: {  	_ =	shalt  }
0x42: {  	_ =	shalt  }
0x43: {  	_ =	shalt  }
0x44: {  	_ =	shalt  }
0x45: {  	_ =	shalt  }
0x46: {  	_ =	shalt  }
0x47: {  	_ =	shalt  }
0x48: {  	_ =	shalt  }
0x49: {  	_ =	shalt  }
0x4a: {  	_ =	shalt  }
0x4b: {  	_ =	shalt  }
0x4c: {  	_ =	shalt  }
0x4d: {  	_ =	shalt  }
0x4e: {  	_ =	shalt  }
0x4f: {  	_ =	shalt  }
0x50: {  	_ =	shalt  }
0x51: {  	_ =	shalt  }
0x52: {  	_ =	shalt  }
0x53: {  	_ =	shalt  }
0x54: {  	_ =	shalt  }
0x55: {  	_ =	shalt  }
0x56: {  	_ =	shalt  }
0x57: {  	_ =	shalt  }
0x58: {  	_ =	shalt  }
0x59: {  	_ =	shalt  }
0x5a: {  	_ =	shalt  }
0x5b: {  	_ =	shalt  }
0x5c: {  	_ =	shalt  }
0x5d: {  	_ =	shalt  }
0x5e: {  	_ =	shalt  }
0x5f: {  	_ =	shalt  }
0x60: {  	_ =	shalt  }
0x61: {  	_ =	shalt  }
0x62: {  	_ =	shalt  }
0x63: {  	_ =	shalt  }
0x64: {  	_ =	shalt  }
0x65: {  	_ =	shalt  }
0x66: {  	_ =	shalt  }
0x67: {  	_ =	shalt  }
0x68: {  	_ =	shalt  }
0x69: {  	_ =	shalt  }
0x6a: {  	_ =	shalt  }
0x6b: {  	_ =	shalt  }
0x6c: {  	_ =	shalt  }
0x6d: {  	_ =	shalt  }
0x6e: {  	_ =	shalt  }
0x6f: {  	_ =	shalt  }
0x70: {  	_ =	shalt  }
0x71: {  	_ =	shalt  }
0x72: {  	_ =	shalt  }
0x73: {  	_ =	shalt  }
0x74: {  	_ =	shalt  }
0x75: {  	_ =	shalt  }
0x76: {  	_ =	shalt  }
0x77: {  	_ =	shalt  }
0x78: {  	_ =	shalt  }
0x79: {  	_ =	shalt  }
0x7a: {  	_ =	shalt  }
0x7b: {  	_ =	shalt  }
0x7c: {  	_ =	shalt  }
0x7d: {  	_ =	shalt  }
0x7e: {  	_ =	shalt  }
0x7f: {  	_ =	shalt  }
0x80: {  	_ =	shalt  }
0x81: {  	_ =	shalt  }
0x82: {  	_ =	shalt  }
0x83: {  	_ =	shalt  }
0x84: {  	_ =	shalt  }
0x85: {  	_ =	shalt  }
0x86: {  	_ =	shalt  }
0x87: {  	_ =	shalt  }
.Lfunc_end0:
.L_simem_size_0:
called_computation.1_lowered:
.L_overlay_start_0:
0x88: {  	s2 =	sld [smem:$0x3FD9]  }
0x89: {  	s3 =	sld [smem:$0x3FFE];
	_ =	sdelay $0x1  }
0x8a: {  	s1 =	srdreg.scid  }
0x8b: {  	s0 =	sand.u32 $0x1, s1  }
0x8c: {  	s16 =	sshll.u32 s0, $0xA;
	s2 =	sadd.s32 s3, s2  }
0x8d: {  	s2 =	sadd.s32 s2, s16  }
0x8e: {  	[smem:$0x3FB9] =	sst s2  }
0x8f: {  	_ = 	snop  }
0x90: {  	(tm) =	ssettm $0x1  }
0x91: {  	s17 =	sld [smem:$0x3FFB];
	_ =	sdelay $0x3  }
0x92: {  	_ =	strace s17  }
0x93: {  	s2 =	sld [smem:$0x3FFC];
	_ =	sdelay $0x3  }
0x94: {  	_ =	strace s2  }
0x95: {  	s2 =	sld [smem:$0x3FFD];
	_ =	sdelay $0x3  }
0x96: {  	_ =	strace s2  }
0x97: {  	_ =	strace $0x8FFFFFFF  }
0x98: {  	s18 =	sld [smem:$0x3FDB];
	_ =	sdelay $0x1  }
0x99: {  	s19 =	simm.s32 $_scs_section_size  }
0x9a: {  	s4 =	simm.s32 $_size__tile_overlayer_lowered;
	s5 =	simm.s32 $_tile_overlayer_lowered  }
0x9b: {  	s22 =	simm.s32 $0x1BFF;
	s21 =	sshll.u32 s5, $0x1;
	s2 =	sadd.s32 s19, s18  }
0x9c: {  	s6 =	simm.s32 $0x0;
	s20 =	sshll.u32 s4, $0x1;
	s4 =	sadd.s32 s21, s2  }
0x9d: {  	[timem:s6], [sflag:s22] =	dma.local [hbm:s4], s20  }
0x9e: {  	_ =	swait.ge [sflag:s22], s20  }
0x9f: {  	s3 =	ssub.s32 $0x0, s20;
	[sflag:s22] =	ssyncset.done $0x0  }
0xa0: {  	[sflag:s22] =	ssyncadd.s32 s3;
	_ =	sdelay $0x1  }
0xa1: {  	s23 =	simm.s32 $0x1B8B  }
0xa2: {  	_ =	swait.ge [sflag:s23], $0x1  }
0xa3: {  	[sflag:s23] =	ssyncset.done $0x0  }
0xa4: {  	s25 =	simm.s32 $0x1B8E;
	s24 =	sld [smem:$0x3FFE];
	[sflag:s23] =	ssyncadd.s32 $0xFFFFFFFF  }
0xa5: {  	s26 =	simm.s32 $execute0_lowered;
	[smem:$0x3FD2] =	sst s25  }
0xa6: {  	s4 =	sshll.u32 s26, $0x1;
	_ =	strace $0x80000049;
	[dreg:$0x1] =	wrdreg $0xFFFFFFFF  }
0xa7: {  	s28 =	simm.s32 $_size_execute0_lowered;
	s2 =	sadd.s32 s2, s4;
	[dreg:$0x0] =	wrdreg $0x0  }
0xa8: {  	s4 =	sshll.u32 s28, $0x1;
	[dreg:$0x2] =	wrdreg s2  }
0xa9: {  	[dreg:$0x3] =	wrdreg s4  }
0xaa: {  	[dreg:$0x4] =	wrdreg $0xC0  }
0xab: {  	_ =	task [dreg:s6], $0x5FFFF  }
0xac: {  	[dreg:$0x1] =	wrdreg $0xFFFFFFFF  }
0xad: {  	[dreg:$0x0] =	wrdreg $0x60  }
0xae: {  	[dreg:$0x2] =	wrdreg s24  }
0xaf: {  	[dreg:$0x3] =	wrdreg $0x40800  }
0xb0: {  	[dreg:$0x4] =	wrdreg $0x9  }
0xb1: {  	_ =	task.clear_ibuf [dreg:s6], $0x5FFFF;
	_ =	strace $0x90000049  }
0xb2: {  	s29 =	simm.s32 $0x9;
	_ =	strace $0x8000004B  }
0xb3: {  	_ =	swait.ge [sflag:s29], $0x1  }
0xb4: {  	[sflag:s29] =	ssyncadd.s32 $0xFFFFFFFF  }
0xb5: {  	_ =	strace $0x9000004B  }
0xb6: {  	_ =	sfence  }
0xb7: {  	s30 =	sld [smem:$0x0];
	_ =	sdelay $0x2  }
0xb8: {  	s31 =	sshll.u32 s1, $0xD;
	s1 =	sshrl.u32 s1, $0x2  }
0xb9: {  	s3 =	sand.u32 $0x4000, s31;
	s1 =	sadd.s32 s1, s30  }
0xba: {  	s0 =	sor.u32 s3, s0;
	s1 =	sshll.u32 s1, $0x11  }
0xbb: {  	s0 =	sor.u32 s1, s0  }
0xbc: {  	s0 =	sadd.s32 $0x8F2B, s0  }
0xbd: {  	[sflag:s0] =	ssyncadd.remote.s32 $0x1  }
0xbe: {  	_ =	sfence.sel $0xFFFF  }
0xbf: {  	[dreg:$0x0] =	wrdreg $0xFFFFFFFF;
	(pc) =	sbr.abs _section_cstart, $3  }
0xc0: {  	[dreg:$0x1] =	wrdreg $0xFFFFFFFF  }
0xc1: {  	_ =	task.clear_ibuf [dreg:s6], $0x2FFFF;
	_ =	strace $0x9FFFFFFF  }
0xc2: {  	(tm) =	ssettm $0x7FFFFFFF  }
0xc3: {  	_ =	shalt  }
tec
execute0_lowered:
.L_overlay_start_1:
0x0: {  	(tag) =	ssettag $0x1  }
0x1: {  	s4 =	rddreg [dreg:$0x0]  }
0x2: {  	s1 =	rddreg [dreg:$0x1];
	s0 =	simm.s32 $0x0;
	s5 =	srdreg.scid  }
0x3: {  	s2 =	stileid.u32;
	s23 =	simm.s32 $0x400;
	s24 =	simm.s32 $0x800  }
0x4: {  	s25 =	simm.s32 $0x0;
	[smem:$0x7FF] =	sst s0;
	s5 =	sand.u32 $0x1, s5  }
0x5: {  	s6 =	sshll.u32 s2, $0x4;
	s29 =	sadd.s32 $0x3000, s4;
	s8 =	sshll.u32 s2, $0xE  }
0x6: {  	s12 =	sor.u32 $0x10, s2;
	s15 =	sor.u32 $0x20, s2;
	s16 =	sor.u32 $0x30, s2  }
0x7: {  	s20 =	sor.u32 $0x40, s2;
	s21 =	sshll.u32 s2, $0xC;
	_ =	strace $0x8000004A  }
0x8: {  	s7 =	sshll.u32 s5, $0x7;
	s5 =	ssub.s32 $0x2, s5;
	s18 =	sadd.s32 s6, s4  }
0x9: {  	[dreg:$0x3] =	wrdreg s29;
	s8 =	sadd.s32 s8, s1;
	s9 =	sshll.u32 s12, $0xE  }
0xa: {  	s10 =	sshll.u32 s15, $0xE;
	s11 =	sshll.u32 s16, $0xE;
	s13 =	sshll.u32 s20, $0xE  }
0xb: {  	s14 =	sshll.u32 s12, $0xC;
	s15 =	sshll.u32 s15, $0xC;
	s16 =	sshll.u32 s16, $0xC  }
0xc: {  	s22 =	sshll.u32 s20, $0xC;
	p0 =	sgt.u32 s20, $0x4D;
	s20 =	simm.s32 $0x80  }
0xd: {  	s19 =	sadd.s32 s7, s4;
	s28 =	sshrl.u32 s5, $0x1;
	s9 =	sadd.s32 s9, s1  }
0xe: {  	s10 =	sadd.s32 s10, s1;
	s11 =	sadd.s32 s11, s1;
	s12 =	sadd.s32 s13, s1  }
0xf: {  	s18 =	sadd.s32 $0x8000, s18;
	p1 =	sne.s32 @p0 s2, $0xF;
	s17 =	sadd.s32 $0xA6D400, s19  }
0x10: {  	s30 =	ssub.s32 s5, s28;
	s5 =	sadd.s32 $0x138000, s1;
	s31 =	sadd.s32 $0xABB400, s19  }
0x11: {  	s19 =	sadd.s32 s21, s19;
	p1 =	por p1, !p0;
	[dreg:$0x4] =	wrdreg s31  }
0x12: {  	s7 =	smax.u32 s30, $0x1;
	s13 =	sadd.s32 s21, s17;
	s14 =	sadd.s32 s14, s17  }
0x13: {  	s15 =	sadd.s32 s15, s17;
	s16 =	sadd.s32 s16, s17;
	s17 =	sadd.s32 s22, s17  }
0x14: {  	s19 =	sadd.s32 $0xF4F400, s19;
	s21 =	simm.s32 $0x1;
	s22 =	simm.s32 $0x2  }
.LBB2_1:
0x15: {  	s0 =	simm.s32 $0x0;
	s3 =	rddreg [dreg:$0x3]  }
0x16: {  	[tilespmem:s20], [sflag:$0x1] =	stream.linear.gather [hbm4b:s3+s0], $0x4000, $0x38;
	[tilespmem:$0x17900] =	vst v63  }
0x17: {  	_ =	swait.ge [sflag:s21], $0x4000  }
0x18: {  	[sflag:s21] =	ssyncset.done $0x0  }
0x19: {  	[sflag:s21] =	ssyncadd.s32 $0xFFFFC000  }
0x1a: {  	[spmem:s8] =	stream.linear.scatter [tilespmem:s20], [sflag:$0x1], $0x4000, $0x38;
	[tilespmem:$0x17900] =	vst v63  }
0x1b: {  	_ =	swait.ge [sflag:s21], $0x4000  }
0x1c: {  	[sflag:s21] =	ssyncset.done $0x0  }
0x1d: {  	[sflag:s21] =	ssyncadd.s32 $0xFFFFC000  }
0x1e: {  	[spmem:s9] =	stream.linear.scatter [tilespmem:s20], [sflag:$0x1], $0x4000, $0x38;
	[tilespmem:$0x17900] =	vst v63  }
0x1f: {  	_ =	swait.ge [sflag:s21], $0x4000  }
0x20: {  	[sflag:s21] =	ssyncset.done $0x0  }
0x21: {  	[sflag:s21] =	ssyncadd.s32 $0xFFFFC000  }
0x22: {  	[spmem:s10] =	stream.linear.scatter [tilespmem:s20], [sflag:$0x1], $0x4000, $0x38;
	[tilespmem:$0x17900] =	vst v63  }
0x23: {  	_ =	swait.ge [sflag:s21], $0x4000  }
0x24: {  	[sflag:s21] =	ssyncset.done $0x0  }
0x25: {  	[sflag:s21] =	ssyncadd.s32 $0xFFFFC000  }
0x26: {  	[spmem:s11] =	stream.linear.scatter [tilespmem:s20], [sflag:$0x1], $0x4000, $0x38;
	[tilespmem:$0x17900] =	vst v63  }
0x27: {  	_ =	swait.ge [sflag:s21], $0x4000  }
0x28: {  	[sflag:s21] =	ssyncset.done $0x0  }
0x29: {  	s26 =	simm.s32 @!p1 $0x80;
	[sflag:s21] =	ssyncadd.s32 $0xFFFFC000  }
0x2a: {  	[spmem:s5] =	stream.linear.scatter @!p1 [tilespmem:s26], [sflag:$0x1], $0x800, $0x38;
	[tilespmem:$0x17900] =	vst v63  }
0x2b: {  	s26 =	simm.s32 @!p1 $0x1  }
0x2c: {  	_ =	swait.ge @!p1 [sflag:s26], $0x800  }
0x2d: {  	[sflag:s26] =	ssyncset.done @!p1 $0x0  }
0x2e: {  	[sflag:s26] =	ssyncadd.s32 @!p1 $0xFFFFF800;
	s26 =	simm.s32 @!p0 $0x80  }
0x2f: {  	[spmem:s12] =	stream.linear.scatter @!p0 [tilespmem:s26], [sflag:$0x1], $0x4000, $0x38;
	[tilespmem:$0x17900] =	vst v63  }
0x30: {  	s26 =	simm.s32 @!p0 $0x1  }
0x31: {  	_ =	swait.ge @!p0 [sflag:s26], $0x4000  }
0x32: {  	s28 =	sadd.s32 $0x0, s2;
	[sflag:s26] =	ssyncset.done @!p0 $0x0  }
0x33: {  	p2 =	sgt.u32 s28, $0x4E1;
	[sflag:s26] =	ssyncadd.s32 @!p0 $0xFFFFC000  }
0x34: {  	s29 =	simm.s32 @!p2 $0x2;
	s26 =	simm.s32 @!p2 $0x0;
	[bflag:$0x0] =	sbarrier.arrive $0xFFFF  }
0x35: {  	[tilespmem:s26], [sflag:$0x2] =	stream.linear.gather @!p2 [hbm4b:s18+s26], $0x80, $0x38;
	[tilespmem:$0x17900] =	vst v63  }
0x36: {  	_ =	swait.ge @!p2 [sflag:s29], $0x80  }
0x37: {  	s31 =	simm.s32 @!p2 $0x80;
	[sflag:s29] =	ssyncset.done @!p2 $0x0  }
0x38: {  	s28 =	simm.s32 @!p2 $0x400;
	s30 =	simm.s32 @!p2 $0x800;
	[sflag:s29] =	ssyncadd.s32 @!p2 $0xFFFFFF80  }
0x39: {  	[tilespmem:s31], [sflag:$0x2] =	stream.strided.gather @!p2 [hbm4b:s19+s28], $0x4000, s30, s28, $0x38;
	[tilespmem:$0x17900] =	vst v63  }
0x3a: {  	p3 =	por p2, p2;
	_ =	swait.ge @!p2 [sflag:s29], $0x4000  }
0x3b: {  	[sflag:s29] =	ssyncset.done @!p3 $0x0  }
0x3c: {  	s28 =	simm.s32 $0x20;
	s30 =	simm.s32 @!p3 $0x1;
	[sflag:s29] =	ssyncadd.s32 @!p3 $0xFFFFC000  }
0x3d: {  	[spmem:s1] =	stream.indirect.scatter.add.f32 @!p3 [tilespmem:s31], [sflag:$0x1], $0x80, s26, s31, $0xb8;
	[tilespmem:$0x17900] =	vst v63  }
0x3e: {  	s29 =	sadd.s32 $0x10, s2;
	s26 =	sadd.s32 $0x10000, s19;
	_ =	swait.ge @!p3 [sflag:s30], $0x4000  }
0x3f: {  	p2 =	sgt.u32 s29, $0x4E1;
	s29 =	sadd.s32 $0x100, s18;
	[sflag:s30] =	ssyncset.done @!p3 $0x0  }
.LBB2_2:
0x40: {  	s31 =	simm.s32 @!p2 $0x0;
	s0 =	simm.s32 @!p2 $0x2;
	[sflag:s30] =	ssyncadd.s32 @!p3 $0xFFFFC000  }
0x41: {  	[tilespmem:s31], [sflag:$0x2] =	stream.linear.gather @!p2 [hbm4b:s29+s31], $0x80, $0x38;
	[tilespmem:$0x17900] =	vst v63  }
0x42: {  	s3 =	smov.u32 s28;
	s28 =	sadd.s32 $0x10, s28;
	_ =	swait.ge @!p2 [sflag:s0], $0x80  }
0x43: {  	s4 =	simm.s32 @!p2 $0x80;
	p4 =	sne.s32 s28, $0x4F0;
	[sflag:s0] =	ssyncset.done @!p2 $0x0  }
0x44: {  	s30 =	simm.s32 @!p2 $0x400;
	s6 =	simm.s32 @!p2 $0x800;
	[sflag:s0] =	ssyncadd.s32 @!p2 $0xFFFFFF80  }
0x45: {  	[tilespmem:s4], [sflag:$0x2] =	stream.strided.gather @!p2 [hbm4b:s26+s30], $0x4000, s6, s30, $0x38;
	[tilespmem:$0x17900] =	vst v63  }
0x46: {  	p3 =	por p2, p2;
	_ =	swait.ge @!p2 [sflag:s0], $0x4000  }
.Ltmp0:
0x47: {  	[sflag:s0] =	ssyncset.done @!p3 $0x0;
	(pc) =	sbr.rel @p4 .LBB2_2-.Ltmp0, $4  }
0x48: {  	s30 =	simm.s32 @!p3 $0x1;
	[sflag:s0] =	ssyncadd.s32 @!p3 $0xFFFFC000  }
0x49: {  	[spmem:s1] =	stream.indirect.scatter.add.f32 @!p3 [tilespmem:s4], [sflag:$0x1], $0x80, s31, s4, $0xb8;
	[tilespmem:$0x17900] =	vst v63  }
0x4a: {  	s26 =	sadd.s32 $0x10000, s26;
	s0 =	sadd.s32 s3, s2;
	_ =	swait.ge @!p3 [sflag:s30], $0x4000  }
0x4b: {  	s29 =	sadd.s32 $0x100, s29;
	p2 =	sgt.u32 s0, $0x4E1;
	[sflag:s30] =	ssyncset.done @!p3 $0x0  }
0x4c: {  	s0 =	simm.s32 @!p2 $0x0;
	s3 =	simm.s32 @!p2 $0x2;
	[sflag:s30] =	ssyncadd.s32 @!p3 $0xFFFFC000  }
0x4d: {  	[tilespmem:s0], [sflag:$0x2] =	stream.linear.gather @!p2 [hbm4b:s29+s0], $0x80, $0x38;
	[tilespmem:$0x17900] =	vst v63  }
0x4e: {  	_ =	swait.ge @!p2 [sflag:s3], $0x80  }
0x4f: {  	s4 =	simm.s32 @!p2 $0x80;
	[sflag:s3] =	ssyncset.done @!p2 $0x0  }
0x50: {  	s6 =	simm.s32 @!p2 $0x400;
	s28 =	simm.s32 @!p2 $0x800;
	[sflag:s3] =	ssyncadd.s32 @!p2 $0xFFFFFF80  }
0x51: {  	[tilespmem:s4], [sflag:$0x2] =	stream.strided.gather @!p2 [hbm4b:s26+s6], $0x4000, s28, s6, $0x38;
	[tilespmem:$0x17900] =	vst v63  }
0x52: {  	_ =	swait.ge @!p2 [sflag:s3], $0x4000;
	p2 =	por p2, p2  }
0x53: {  	[sflag:s3] =	ssyncset.done @!p2 $0x0  }
0x54: {  	[sflag:s3] =	ssyncadd.s32 @!p2 $0xFFFFC000;
	s3 =	simm.s32 @!p2 $0x1  }
0x55: {  	[spmem:s1] =	stream.indirect.scatter.add.f32 @!p2 [tilespmem:s4], [sflag:$0x1], $0x80, s0, s4, $0xb8;
	[tilespmem:$0x17900] =	vst v63  }
0x56: {  	_ =	swait.ge @!p2 [sflag:s3], $0x4000  }
0x57: {  	[sflag:s3] =	ssyncset.done @!p2 $0x0  }
0x58: {  	[sflag:s3] =	ssyncadd.s32 @!p2 $0xFFFFC000  }
0x59: {  	[bflag:$0x0] =	sbarrier.arrive $0xFFFF  }
0x5a: {  	[tilespmem:s20], [sflag:$0x2] =	stream.linear.gather [spmem:s8], $0x4000, $0x38;
	[tilespmem:$0x17900] =	vst v63  }
0x5b: {  	_ =	swait.ge [sflag:s22], $0x4000  }
0x5c: {  	[sflag:s22] =	ssyncset.done $0x0  }
0x5d: {  	[sflag:s22] =	ssyncadd.s32 $0xFFFFC000  }
0x5e: {  	[hbm4b:s13+s23] =	stream.strided.scatter [tilespmem:s20], [sflag:$0x1], $0x4000, s24, s23, $0x38;
	[tilespmem:$0x17900] =	vst v63  }
0x5f: {  	_ =	swait.ge [sflag:s21], $0x4000  }
0x60: {  	[sflag:s21] =	ssyncset.done $0x0  }
0x61: {  	[sflag:s21] =	ssyncadd.s32 $0xFFFFC000  }
0x62: {  	[tilespmem:s20], [sflag:$0x2] =	stream.linear.gather [spmem:s9], $0x4000, $0x38;
	[tilespmem:$0x17900] =	vst v63  }
0x63: {  	_ =	swait.ge [sflag:s22], $0x4000  }
0x64: {  	[sflag:s22] =	ssyncset.done $0x0  }
0x65: {  	[sflag:s22] =	ssyncadd.s32 $0xFFFFC000  }
0x66: {  	[hbm4b:s14+s23] =	stream.strided.scatter [tilespmem:s20], [sflag:$0x1], $0x4000, s24, s23, $0x38;
	[tilespmem:$0x17900] =	vst v63  }
0x67: {  	_ =	swait.ge [sflag:s21], $0x4000  }
0x68: {  	[sflag:s21] =	ssyncset.done $0x0  }
0x69: {  	[sflag:s21] =	ssyncadd.s32 $0xFFFFC000  }
0x6a: {  	[tilespmem:s20], [sflag:$0x2] =	stream.linear.gather [spmem:s10], $0x4000, $0x38;
	[tilespmem:$0x17900] =	vst v63  }
0x6b: {  	_ =	swait.ge [sflag:s22], $0x4000  }
0x6c: {  	[sflag:s22] =	ssyncset.done $0x0  }
0x6d: {  	[sflag:s22] =	ssyncadd.s32 $0xFFFFC000  }
0x6e: {  	[hbm4b:s15+s23] =	stream.strided.scatter [tilespmem:s20], [sflag:$0x1], $0x4000, s24, s23, $0x38;
	[tilespmem:$0x17900] =	vst v63  }
0x6f: {  	_ =	swait.ge [sflag:s21], $0x4000  }
0x70: {  	[sflag:s21] =	ssyncset.done $0x0  }
0x71: {  	[sflag:s21] =	ssyncadd.s32 $0xFFFFC000  }
0x72: {  	[tilespmem:s20], [sflag:$0x2] =	stream.linear.gather [spmem:s11], $0x4000, $0x38;
	[tilespmem:$0x17900] =	vst v63  }
0x73: {  	_ =	swait.ge [sflag:s22], $0x4000  }
0x74: {  	[sflag:s22] =	ssyncset.done $0x0  }
0x75: {  	[sflag:s22] =	ssyncadd.s32 $0xFFFFC000  }
0x76: {  	[hbm4b:s16+s23] =	stream.strided.scatter [tilespmem:s20], [sflag:$0x1], $0x4000, s24, s23, $0x38;
	[tilespmem:$0x17900] =	vst v63  }
0x77: {  	_ =	swait.ge [sflag:s21], $0x4000  }
0x78: {  	[sflag:s21] =	ssyncset.done $0x0  }
0x79: {  	s0 =	simm.s32 @!p1 $0x80;
	s3 =	simm.s32 @!p1 $0x1;
	[sflag:s21] =	ssyncadd.s32 $0xFFFFC000  }
0x7a: {  	[tilespmem:s0], [sflag:$0x1] =	stream.linear.gather @!p1 [spmem:s5], $0x800, $0x38;
	[tilespmem:$0x17900] =	vst v63  }
0x7b: {  	_ =	swait.ge @!p1 [sflag:s3], $0x800  }
0x7c: {  	s6 =	simm.s32 @!p1 $0x800;
	[sflag:s3] =	ssyncset.done @!p1 $0x0  }
0x7d: {  	s4 =	simm.s32 @!p1 $0x400;
	s26 =	rddreg [dreg:$0x4];
	[sflag:s3] =	ssyncadd.s32 @!p1 $0xFFFFF800  }
0x7e: {  	[hbm4b:s26+s4] =	stream.strided.scatter @!p1 [tilespmem:s0], [sflag:$0x1], $0x800, s6, s4, $0x38;
	[tilespmem:$0x17900] =	vst v63  }
0x7f: {  	_ =	swait.ge @!p1 [sflag:s3], $0x800  }
0x80: {  	[sflag:s3] =	ssyncset.done @!p1 $0x0  }
0x81: {  	s0 =	simm.s32 @!p0 $0x80;
	[sflag:s3] =	ssyncadd.s32 @!p1 $0xFFFFF800;
	s3 =	simm.s32 @!p0 $0x2  }
0x82: {  	[tilespmem:s0], [sflag:$0x2] =	stream.linear.gather @!p0 [spmem:s12], $0x4000, $0x38;
	[tilespmem:$0x17900] =	vst v63  }
0x83: {  	s25 =	sadd.s32 $0x1, s25;
	_ =	swait.ge @!p0 [sflag:s3], $0x4000  }
0x84: {  	p2 =	sne.s32 s25, s7;
	[sflag:s3] =	ssyncset.done @!p0 $0x0  }
0x85: {  	s4 =	simm.s32 @!p0 $0x800;
	[sflag:s3] =	ssyncadd.s32 @!p0 $0xFFFFC000;
	s3 =	simm.s32 @!p0 $0x400  }
0x86: {  	[hbm4b:s17+s3] =	stream.strided.scatter @!p0 [tilespmem:s0], [sflag:$0x1], $0x4000, s4, s3, $0x38;
	[tilespmem:$0x17900] =	vst v63  }
.Ltmp1:
0x87: {  	_ = 	snop;
	(pc) =	sbr.rel @p2 .LBB2_1-.Ltmp1, $4  }
0x88: {  	s0 =	simm.s32 @!p0 $0x1  }
0x89: {  	_ =	swait.ge @!p0 [sflag:s0], $0x4000  }
0x8a: {  	[sflag:s0] =	ssyncset.done @!p0 $0x0  }
0x8b: {  	[sflag:s0] =	ssyncadd.s32 @!p0 $0xFFFFC000  }
0x8c: {  	_ =	sfence.sel $0x180000  }
0x8d: {  	[bflag:$0x0] =	sbarrier.arrive $0xFFFF  }
0x8e: {  	_ =	strace $0x9000004A  }
0x8f: {  	[bflag:$0x2] =	sbarrier.arrive $0xFFFF  }
0x90: {  	p0 =	sne.s32 s2, $0x0;
	s0 =	rddreg [dreg:$0x2]  }
0x91: {  	s0 =	sadd.s32 @!p0 $0x100000, s0  }
0x92: {  	[sflag:s0] =	ssyncadd.tile.s32 @!p0 $0x1;
	_ =	shalt  }
.Lfunc_end2:
_tile_overlayer_lowered:
.L_overlay_start_2:
0x93: {  	(tag) =	ssettag $0x2  }
0x94: {  	s0 =	rddreg [dreg:$0x0];
	s2 =	stileid.u32  }
0x95: {  	s1 =	rddreg [dreg:$0x1];
	p0 =	sne.s32 s2, $0x0  }
0x96: {  	s3 =	rddreg [dreg:$0x2];
	[bflag:$0x3] =	sbarrier.arrive $0xFFFF;
	s2 =	simm.s32 @!p0 $0x1C01  }
0x97: {  	[timem:s3], [sflag:s2] =	dma.local @!p0 [hbm:s0], s1  }
0x98: {  	s0 =	simm.s32 @!p0 $0x1  }
0x99: {  	_ =	swait.ge @!p0 [sflag:s0], s1  }
0x9a: {  	s1 =	ssub.s32 @!p0 $0x0, s1;
	[sflag:s0] =	ssyncset.done @!p0 $0x0  }
0x9b: {  	[sflag:s0] =	ssyncadd.s32 @!p0 s1  }
0x9c: {  	[bflag:$0x3] =	sbarrier.arrive $0xFFFF  }
0x9d: {  	_ =	shalt  }

// kernel: kernel.15.cloned.1.call-start
scs
__scs_entry_jumppad:
0x0: {  	(pc) =	sbr.rel $0x88, $3  }
0x1: {  	(tag) =	ssettag $0x0;
	lr =	simm.s32 $0x1  }
0x2: {  	[smem:$0x3F92] =	sst lr;
	_ =	strace $0xD0000000  }
0x3: {  	_ = 	snop  }
0x4: {  	_ = 	snop  }
0x5: {  	_ = 	snop  }
0x6: {  	_ = 	snop  }
0x7: {  	_ = 	snop  }
__scs_overlays_trampoline_lowered:
0x8: {  	[smem:$0x3FA1] =	sst s0  }
0x9: {  	[smem:$0x3FA2] =	sst s1  }
0xa: {  	[smem:$0x3FA3] =	sst s2  }
0xb: {  	[smem:$0x3FA4] =	sst s3  }
0xc: {  	[smem:$0x3FA5] =	sst s4  }
0xd: {  	[smem:$0x3FA6] =	sst s5  }
0xe: {  	[smem:$0x3FA7] =	sst s6  }
0xf: {  	[smem:$0x3FA8] =	sst s7  }
0x10: {  	[smem:$0x3FA9] =	sst s8  }
0x11: {  	[smem:$0x3FAA] =	sst s9;
	s0 =	simm.s32 @!p0 $0x0  }
0x12: {  	s1 =	sld [smem:$0x3F90];
	s0 =	simm.s32 @p0 $0x1  }
0x13: {  	[smem:$0x3FAB] =	sst s0;
	s0 =	simm.s32 @!p1 $0x0  }
0x14: {  	s2 =	sld [smem:$0x3F8F];
	s0 =	simm.s32 @p1 $0x1  }
0x15: {  	[smem:$0x3FAC] =	sst s0;
	s0 =	simm.s32 @!p2 $0x0  }
0x16: {  	s3 =	sld [smem:$0x3FDB];
	s0 =	simm.s32 @p2 $0x1  }
0x17: {  	s4 =	simm.s32 $0x1BF5;
	[smem:$0x3FAE] =	sst s0  }
0x18: {  	s0 =	sld [smem:$0x3F91];
	_ =	swait.ge [sflag:s4], $0x0  }
0x19: {  	s7 =	sld [smem:$0x3F92]  }
0x1a: {  	s8 =	sadd.s32 $0xFFFFE003, lr  }
0x1b: {  	s9 =	sadd.s32 $0xFFFFFEF7, lr;
	s5 =	simm.s32 $0xFFFFFFFF;
	p2 =	slt.u32 s8, $0xFFFFF086  }
0x1c: {  	p1 =	slt.u32 s9, $0xF7A;
	s5 =	simm.s32 @!p2 $0x0  }
0x1d: {  	s5 =	simm.s32 @p1 $0x1;
	p0 =	seq.s32 s7, s2  }
0x1e: {  	s7 =	smul.u32 @!p0 $0xF7A, s2;
	p2 =	seq.s32 @!p0 s5, $0x0  }
0x1f: {  	s9 =	smul.u32 $0xF7A, s1;
	s8 =	simm.s32 @!p0 $0x1BF5;
	p2 =	por !p2, p0  }
0x20: {  	[sflag:s8] =	ssyncset.s32 @!p0 $0xFFFFF086;
	s6 =	sadd.s32 @!p0 s3, s7;
	s7 =	simm.s32 @!p0 $0x108  }
0x21: {  	s3 =	sadd.s32 s3, s9;
	s6 =	sadd.s32 @!p0 $0x88, s6;
	s7 =	simm.s32 @p2 $0x1082  }
0x22: {  	[simem:s7], [sflag:s8] =	dma.local @!p0 [hbm:s6], $0xF7A  }
0x23: {  	s9 =	sor.u32 $0xD0000000, s2;
	s6 =	simm.s32 $0x108;
	_ =	swait.ge @!p0 [sflag:s8], $0x0  }
0x24: {  	s3 =	sadd.s32 $0x88, s3;
	s6 =	simm.s32 @!p1 $0x1082;
	[sflag:s4] =	ssyncset.s32 $0xFFFFF086  }
0x25: {  	[simem:s6], [sflag:s4] =	dma.local [hbm:s3], $0xF7A  }
0x26: {  	[smem:$0x3F92] =	sst s1;
	(tag) =	ssettag s2;
	_ =	strace s9  }
0x27: {  	s1 =	sld [smem:$0x3FA2]  }
0x28: {  	s2 =	sld [smem:$0x3FA3]  }
0x29: {  	s4 =	sld [smem:$0x3FA5]  }
0x2a: {  	p0 =	seq.s32 s5, $0x0;
	s5 =	sld [smem:$0x3FA6]  }
0x2b: {  	s6 =	sld [smem:$0x3FA7]  }
0x2c: {  	s7 =	sld [smem:$0x3FA8]  }
0x2d: {  	s3 =	simm.s32 $0x108;
	s8 =	sld [smem:$0x3FA9]  }
0x2e: {  	s3 =	simm.s32 @!p0 $0x1082;
	s9 =	sld [smem:$0x3FAA]  }
0x2f: {  	lr =	sadd.s32 s0, s3;
	s0 =	sld [smem:$0x3FA1]  }
0x30: {  	s3 =	sld [smem:$0x3FA4]  }
0x31: {  	[smem:$0x3FAD] =	sst s10  }
0x32: {  	s10 =	sld [smem:$0x3FAB];
	_ =	sdelay $0x3  }
0x33: {  	p0 =	seq.s32 s10, $0x1;
	s10 =	sld [smem:$0x3FAD];
	_ =	sdelay $0x3  }
0x34: {  	[smem:$0x3FAD] =	sst s10  }
0x35: {  	s10 =	sld [smem:$0x3FAC];
	_ =	sdelay $0x3  }
0x36: {  	p1 =	seq.s32 s10, $0x1;
	s10 =	sld [smem:$0x3FAD];
	_ =	sdelay $0x3  }
0x37: {  	[smem:$0x3FAD] =	sst s10  }
0x38: {  	s10 =	sld [smem:$0x3FAE]  }
0x39: {  	_ = 	snop;
	(pc) =	sbr.ind lr, $3  }
0x3a: {  	_ = 	snop  }
0x3b: {  	_ = 	snop  }
0x3c: {  	p2 =	seq.s32 s10, $0x1;
	s10 =	sld [smem:$0x3FAD]  }
0x3d: {  	_ =	shalt  }
0x3e: {  	_ =	shalt  }
0x3f: {  	_ =	shalt  }
0x40: {  	_ =	shalt  }
0x41: {  	_ =	shalt  }
0x42: {  	_ =	shalt  }
0x43: {  	_ =	shalt  }
0x44: {  	_ =	shalt  }
0x45: {  	_ =	shalt  }
0x46: {  	_ =	shalt  }
0x47: {  	_ =	shalt  }
0x48: {  	_ =	shalt  }
0x49: {  	_ =	shalt  }
0x4a: {  	_ =	shalt  }
0x4b: {  	_ =	shalt  }
0x4c: {  	_ =	shalt  }
0x4d: {  	_ =	shalt  }
0x4e: {  	_ =	shalt  }
0x4f: {  	_ =	shalt  }
0x50: {  	_ =	shalt  }
0x51: {  	_ =	shalt  }
0x52: {  	_ =	shalt  }
0x53: {  	_ =	shalt  }
0x54: {  	_ =	shalt  }
0x55: {  	_ =	shalt  }
0x56: {  	_ =	shalt  }
0x57: {  	_ =	shalt  }
0x58: {  	_ =	shalt  }
0x59: {  	_ =	shalt  }
0x5a: {  	_ =	shalt  }
0x5b: {  	_ =	shalt  }
0x5c: {  	_ =	shalt  }
0x5d: {  	_ =	shalt  }
0x5e: {  	_ =	shalt  }
0x5f: {  	_ =	shalt  }
0x60: {  	_ =	shalt  }
0x61: {  	_ =	shalt  }
0x62: {  	_ =	shalt  }
0x63: {  	_ =	shalt  }
0x64: {  	_ =	shalt  }
0x65: {  	_ =	shalt  }
0x66: {  	_ =	shalt  }
0x67: {  	_ =	shalt  }
0x68: {  	_ =	shalt  }
0x69: {  	_ =	shalt  }
0x6a: {  	_ =	shalt  }
0x6b: {  	_ =	shalt  }
0x6c: {  	_ =	shalt  }
0x6d: {  	_ =	shalt  }
0x6e: {  	_ =	shalt  }
0x6f: {  	_ =	shalt  }
0x70: {  	_ =	shalt  }
0x71: {  	_ =	shalt  }
0x72: {  	_ =	shalt  }
0x73: {  	_ =	shalt  }
0x74: {  	_ =	shalt  }
0x75: {  	_ =	shalt  }
0x76: {  	_ =	shalt  }
0x77: {  	_ =	shalt  }
0x78: {  	_ =	shalt  }
0x79: {  	_ =	shalt  }
0x7a: {  	_ =	shalt  }
0x7b: {  	_ =	shalt  }
0x7c: {  	_ =	shalt  }
0x7d: {  	_ =	shalt  }
0x7e: {  	_ =	shalt  }
0x7f: {  	_ =	shalt  }
0x80: {  	_ =	shalt  }
0x81: {  	_ =	shalt  }
0x82: {  	_ =	shalt  }
0x83: {  	_ =	shalt  }
0x84: {  	_ =	shalt  }
0x85: {  	_ =	shalt  }
0x86: {  	_ =	shalt  }
0x87: {  	_ =	shalt  }
.Lfunc_end0:
.L_simem_size_0:
called_computation.2_lowered:
.L_overlay_start_0:
0x88: {  	s2 =	sld [smem:$0x3FD9]  }
0x89: {  	s3 =	sld [smem:$0x3FFE];
	_ =	sdelay $0x1  }
0x8a: {  	s1 =	srdreg.scid  }
0x8b: {  	s0 =	sand.u32 $0x1, s1  }
0x8c: {  	s17 =	sshll.u32 s0, $0xA;
	s2 =	sadd.s32 s3, s2  }
0x8d: {  	s2 =	sadd.s32 s2, s17  }
0x8e: {  	[smem:$0x3FB9] =	sst s2  }
0x8f: {  	_ = 	snop  }
0x90: {  	s18 =	sld [smem:$0x3FD0];
	(tm) =	ssettm $0x1  }
0x91: {  	s19 =	sld [smem:$0x3FFB];
	_ =	sdelay $0x3  }
0x92: {  	_ =	strace s19  }
0x93: {  	s2 =	sld [smem:$0x3FFC];
	_ =	sdelay $0x3  }
0x94: {  	_ =	strace s2  }
0x95: {  	s2 =	sld [smem:$0x3FFD];
	_ =	sdelay $0x3  }
0x96: {  	_ =	strace s2  }
0x97: {  	_ =	strace $0x8FFFFFFF  }
0x98: {  	s20 =	sld [smem:$0x3FDB];
	_ =	sdelay $0x1  }
0x99: {  	s4 =	simm.s32 $_scs_section_size  }
0x9a: {  	s5 =	simm.s32 $_size__tile_overlayer_lowered;
	s6 =	simm.s32 $_tile_overlayer_lowered  }
0x9b: {  	s7 =	simm.s32 $0x1BFF;
	s21 =	sshll.u32 s6, $0x1;
	s4 =	sadd.s32 s4, s20  }
0x9c: {  	s22 =	simm.s32 $0x0;
	s5 =	sshll.u32 s5, $0x1;
	s6 =	sadd.s32 s21, s4  }
0x9d: {  	[timem:s22], [sflag:s7] =	dma.local [hbm:s6], s5  }
0x9e: {  	_ =	swait.ge [sflag:s7], s5  }
0x9f: {  	s5 =	ssub.s32 $0x0, s5;
	[sflag:s7] =	ssyncset.done $0x0  }
0xa0: {  	[sflag:s7] =	ssyncadd.s32 s5;
	_ =	sdelay $0x1  }
0xa1: {  	s23 =	simm.s32 $0x1B8B  }
0xa2: {  	_ =	swait.ge [sflag:s23], $0x1  }
0xa3: {  	[sflag:s23] =	ssyncset.done $0x0  }
0xa4: {  	[sflag:s23] =	ssyncadd.s32 $0xFFFFFFFF  }
0xa5: {  	s5 =	sld [smem:$0x0]  }
0xa6: {  	s6 =	sand.u32 $0xFFFFFFFE, s1  }
0xa7: {  	p0 =	sne.s32 s1, s6  }
0xa8: {  	s6 =	sshll.u32 @p0 s6, $0xE  }
0xa9: {  	s6 =	sadd.s32 @p0 $0x11B8D, s6;
	s7 =	sshll.u32 @p0 s5, $0x11  }
0xaa: {  	s6 =	sor.u32 @p0 s7, s6  }
0xab: {  	[sflag:s6] =	ssyncadd.remote.s32 @p0 $0x1;
	_ =	sdelay $0x1  }
0xac: {  	s6 =	simm.s32 @p0 $0x1B8D  }
0xad: {  	_ =	swait.eq @p0 [sflag:s6], $0x1  }
0xae: {  	[sflag:s6] =	ssyncadd.s32 @p0 $0xFFFFFFFF  }
0xaf: {  	s7 =	sshll.u32 @!p0 s1, $0xE  }
0xb0: {  	s7 =	sor.u32 @!p0 $0x4000, s7;
	s6 =	simm.s32 @!p0 $0x1B8D  }
0xb1: {  	s5 =	sshll.u32 @!p0 s5, $0x11;
	s7 =	sadd.s32 @!p0 $0x11B8D, s7;
	_ =	swait.eq @!p0 [sflag:s6], $0x1  }
0xb2: {  	s5 =	sor.u32 @!p0 s5, s7;
	[sflag:s6] =	ssyncadd.s32 @!p0 $0xFFFFFFFF  }
0xb3: {  	s25 =	simm.s32 $0x1B8E;
	s24 =	sld [smem:$0x3FFE];
	[sflag:s5] =	ssyncadd.remote.s32 @!p0 $0x1  }
0xb4: {  	s26 =	simm.s32 $execute0_lowered;
	[smem:$0x3FD2] =	sst s25  }
0xb5: {  	s6 =	sshll.u32 s26, $0x1;
	_ =	strace $0x8000004C;
	[dreg:$0x1] =	wrdreg $0xFFFFFFFF  }
0xb6: {  	s28 =	simm.s32 $_size_execute0_lowered;
	s4 =	sadd.s32 s4, s6;
	[dreg:$0x0] =	wrdreg $0x0  }
0xb7: {  	s6 =	sshll.u32 s28, $0x1;
	[dreg:$0x2] =	wrdreg s4  }
0xb8: {  	[dreg:$0x3] =	wrdreg s6  }
0xb9: {  	[dreg:$0x4] =	wrdreg $0xC0  }
0xba: {  	_ =	task [dreg:s22], $0x5FFFF  }
0xbb: {  	[dreg:$0x1] =	wrdreg $0xFFFFFFFF  }
0xbc: {  	[dreg:$0x0] =	wrdreg $0x60  }
0xbd: {  	[dreg:$0x2] =	wrdreg s24  }
0xbe: {  	[dreg:$0x3] =	wrdreg s18  }
0xbf: {  	[dreg:$0x4] =	wrdreg $0x40800  }
0xc0: {  	[dreg:$0x5] =	wrdreg $0xA  }
0xc1: {  	_ =	task.clear_ibuf [dreg:s22], $0x6FFFF;
	_ =	strace $0x9000004C  }
0xc2: {  	s29 =	simm.s32 $0xA;
	_ =	strace $0x8000004E  }
0xc3: {  	_ =	swait.ge [sflag:s29], $0x1  }
0xc4: {  	[sflag:s29] =	ssyncadd.s32 $0xFFFFFFFF  }
0xc5: {  	_ =	strace $0x9000004E  }
0xc6: {  	_ =	sfence  }
0xc7: {  	s30 =	sld [smem:$0x0];
	_ =	sdelay $0x2  }
0xc8: {  	s31 =	sshll.u32 s1, $0xD;
	s1 =	sshrl.u32 s1, $0x2  }
0xc9: {  	s4 =	sand.u32 $0x4000, s31;
	s1 =	sadd.s32 s1, s30  }
0xca: {  	s0 =	sor.u32 s4, s0;
	s1 =	sshll.u32 s1, $0x11  }
0xcb: {  	s0 =	sor.u32 s1, s0  }
0xcc: {  	s0 =	sadd.s32 $0x8F2B, s0  }
0xcd: {  	[sflag:s0] =	ssyncadd.remote.s32 $0x1  }
0xce: {  	_ =	sfence.sel $0xFFFF  }
0xcf: {  	[dreg:$0x0] =	wrdreg $0xFFFFFFFF;
	(pc) =	sbr.abs _section_cstart, $3  }
0xd0: {  	[dreg:$0x1] =	wrdreg $0xFFFFFFFF  }
0xd1: {  	_ =	task.clear_ibuf [dreg:s22], $0x2FFFF;
	_ =	strace $0x9FFFFFFF  }
0xd2: {  	(tm) =	ssettm $0x7FFFFFFF  }
0xd3: {  	_ =	shalt  }
tec
execute0_lowered:
.L_overlay_start_1:
0x0: {  	(tag) =	ssettag $0x1  }
0x1: {  	s4 =	rddreg [dreg:$0x0]  }
0x2: {  	s18 =	rddreg [dreg:$0x1]  }
0x3: {  	s1 =	rddreg [dreg:$0x2]  }
0x4: {  	s3 =	simm.s32 $0x0;
	s5 =	srdreg.scid;
	s0 =	stileid.u32  }
0x5: {  	[smem:$0x7FF] =	sst s3;
	s19 =	sand.u32 $0x1, s5;
	s26 =	sshll.u32 s0, $0x5  }
0x6: {  	s6 =	sshll.u32 s0, $0xC;
	s5 =	sshll.u32 s0, $0x1;
	s12 =	sshll.u32 s0, $0xE  }
0x7: {  	s23 =	sor.u32 $0x40, s0;
	_ =	strace $0x8000004D;
	s20 =	smul.u32 $0x138800, s19  }
0x8: {  	s21 =	sadd.s32 s26, s4;
	s22 =	sadd.s32 s6, s4;
	s28 =	ssub.s32 $0x2, s19  }
0x9: {  	s4 =	sadd.s32 $0x3000, s4;
	s6 =	sadd.s32 $0x138000, s1;
	s15 =	sor.u32 $0x40000, s12  }
0xa: {  	s16 =	sor.u32 $0x80000, s12;
	s9 =	sadd.s32 s12, s1;
	s17 =	sor.u32 $0xC0000, s12  }
0xb: {  	s24 =	sshll.u32 s23, $0xE;
	s30 =	sshll.u32 s19, $0xB;
	s19 =	sshll.u32 s19, $0x4  }
0xc: {  	p0 =	sgt.u32 s23, $0x4D;
	s23 =	simm.s32 $0x2;
	s29 =	sshrl.u32 s28, $0x1  }
0xd: {  	s10 =	sadd.s32 s15, s1;
	s11 =	sadd.s32 s16, s1;
	s31 =	sadd.s32 s30, s22  }
0xe: {  	s21 =	sadd.s32 s19, s21;
	s22 =	simm.s32 $0x1;
	p1 =	sne.s32 @p0 s0, $0xF  }
0xf: {  	s7 =	sshrl.u32 s20, $0x3;
	s8 =	ssub.s32 s28, s29;
	s13 =	sadd.s32 s20, s12  }
0x10: {  	s12 =	sadd.s32 s17, s1;
	s15 =	sadd.s32 s20, s15;
	s16 =	sadd.s32 s20, s16  }
0x11: {  	s17 =	sadd.s32 s20, s17;
	s20 =	sadd.s32 s20, s24;
	s19 =	sadd.s32 $0x1431400, s31  }
0x12: {  	p1 =	por p1, !p0;
	s7 =	sadd.s32 s18, s7;
	s8 =	smax.u32 s8, $0x1  }
0x13: {  	s14 =	sshrl.u32 s13, $0x3;
	s13 =	sadd.s32 s24, s1;
	s15 =	sshrl.u32 s15, $0x3  }
0x14: {  	s16 =	sshrl.u32 s16, $0x3;
	s17 =	sshrl.u32 s17, $0x3;
	s20 =	sshrl.u32 s20, $0x3  }
0x15: {  	s24 =	simm.s32 $0x0;
	s7 =	sadd.s32 $0x27000, s7;
	s14 =	sadd.s32 s18, s14  }
0x16: {  	s15 =	sadd.s32 s18, s15;
	s16 =	sadd.s32 s18, s16;
	s17 =	sadd.s32 s18, s17  }
0x17: {  	s18 =	sadd.s32 s18, s20;
	s20 =	sadd.s32 $0x8000, s21;
	s21 =	simm.s32 $0x80  }
.LBB2_1:
0x18: {  	[tilespmem:s21], [sflag:$0x1] =	stream.linear.gather [hbm4b:s4+s3], $0x4000, $0x38;
	[tilespmem:$0x17900] =	vst v63  }
0x19: {  	_ =	swait.ge [sflag:s22], $0x4000  }
0x1a: {  	[sflag:s22] =	ssyncset.done $0x0  }
0x1b: {  	[sflag:s22] =	ssyncadd.s32 $0xFFFFC000  }
0x1c: {  	[spmem:s9] =	stream.linear.scatter [tilespmem:s21], [sflag:$0x1], $0x4000, $0x38;
	[tilespmem:$0x17900] =	vst v63  }
0x1d: {  	_ =	swait.ge [sflag:s22], $0x4000  }
0x1e: {  	[sflag:s22] =	ssyncset.done $0x0  }
0x1f: {  	[sflag:s22] =	ssyncadd.s32 $0xFFFFC000  }
0x20: {  	[spmem:s10] =	stream.linear.scatter [tilespmem:s21], [sflag:$0x1], $0x4000, $0x38;
	[tilespmem:$0x17900] =	vst v63  }
0x21: {  	_ =	swait.ge [sflag:s22], $0x4000  }
0x22: {  	[sflag:s22] =	ssyncset.done $0x0  }
0x23: {  	[sflag:s22] =	ssyncadd.s32 $0xFFFFC000  }
0x24: {  	[spmem:s11] =	stream.linear.scatter [tilespmem:s21], [sflag:$0x1], $0x4000, $0x38;
	[tilespmem:$0x17900] =	vst v63  }
0x25: {  	_ =	swait.ge [sflag:s22], $0x4000  }
0x26: {  	[sflag:s22] =	ssyncset.done $0x0  }
0x27: {  	[sflag:s22] =	ssyncadd.s32 $0xFFFFC000  }
0x28: {  	[spmem:s12] =	stream.linear.scatter [tilespmem:s21], [sflag:$0x1], $0x4000, $0x38;
	[tilespmem:$0x17900] =	vst v63  }
0x29: {  	_ =	swait.ge [sflag:s22], $0x4000  }
0x2a: {  	[sflag:s22] =	ssyncset.done $0x0  }
0x2b: {  	s25 =	simm.s32 @!p1 $0x80;
	[sflag:s22] =	ssyncadd.s32 $0xFFFFC000  }
0x2c: {  	[spmem:s6] =	stream.linear.scatter @!p1 [tilespmem:s25], [sflag:$0x1], $0x800, $0x38;
	[tilespmem:$0x17900] =	vst v63  }
0x2d: {  	s25 =	simm.s32 @!p1 $0x1  }
0x2e: {  	_ =	swait.ge @!p1 [sflag:s25], $0x800  }
0x2f: {  	[sflag:s25] =	ssyncset.done @!p1 $0x0  }
0x30: {  	[sflag:s25] =	ssyncadd.s32 @!p1 $0xFFFFF800;
	s25 =	simm.s32 @!p0 $0x80  }
0x31: {  	[spmem:s13] =	stream.linear.scatter @!p0 [tilespmem:s25], [sflag:$0x1], $0x4000, $0x38;
	[tilespmem:$0x17900] =	vst v63  }
0x32: {  	s25 =	simm.s32 @!p0 $0x1  }
0x33: {  	_ =	swait.ge @!p0 [sflag:s25], $0x4000  }
0x34: {  	s26 =	sadd.s32 $0x0, s5;
	[sflag:s25] =	ssyncset.done @!p0 $0x0  }
0x35: {  	p2 =	sgt.u32 s26, $0x4E1;
	[sflag:s25] =	ssyncadd.s32 @!p0 $0xFFFFC000  }
0x36: {  	s28 =	simm.s32 @!p2 $0x2;
	s25 =	simm.s32 @!p2 $0x0;
	[bflag:$0x0] =	sbarrier.arrive $0xFFFF  }
0x37: {  	[tilespmem:s25], [sflag:$0x2] =	stream.linear.gather @!p2 [hbm4b:s20+s25], $0x80, $0x38;
	[tilespmem:$0x17900] =	vst v63  }
0x38: {  	_ =	swait.ge @!p2 [sflag:s28], $0x80  }
0x39: {  	[sflag:s28] =	ssyncset.done @!p2 $0x0;
	p2 =	por p2, p2  }
0x3a: {  	[sflag:s28] =	ssyncadd.s32 @!p2 $0xFFFFFF80;
	s30 =	simm.s32 @!p2 $0x80  }
0x3b: {  	[tilespmem:s30], [sflag:$0x2] =	stream.linear.gather @!p2 [hbm4b:s19+s25], $0x4000, $0x38;
	[tilespmem:$0x17900] =	vst v63  }
0x3c: {  	_ =	swait.ge @!p2 [sflag:s28], $0x4000  }
0x3d: {  	[sflag:s28] =	ssyncset.done @!p2 $0x0  }
0x3e: {  	s31 =	sadd.s32 $0x20, s5;
	s29 =	simm.s32 @!p2 $0x1;
	[sflag:s28] =	ssyncadd.s32 @!p2 $0xFFFFC000  }
0x3f: {  	[spmem:s1] =	stream.indirect.scatter.add.f32 @!p2 [tilespmem:s30], [sflag:$0x1], $0x80, s25, s30, $0xb8;
	[tilespmem:$0x17900] =	vst v63  }
0x40: {  	s26 =	simm.s32 $0x40;
	p3 =	sgt.u32 s31, $0x4E1;
	_ =	swait.ge @!p2 [sflag:s29], $0x4000  }
0x41: {  	s28 =	sadd.s32 $0x200, s20;
	s25 =	sadd.s32 $0x10000, s19;
	[sflag:s29] =	ssyncset.done @!p2 $0x0  }
.LBB2_2:
0x42: {  	s30 =	simm.s32 @!p3 $0x0;
	s31 =	simm.s32 @!p3 $0x2;
	[sflag:s29] =	ssyncadd.s32 @!p2 $0xFFFFC000  }
0x43: {  	[tilespmem:s30], [sflag:$0x2] =	stream.linear.gather @!p3 [hbm4b:s28+s30], $0x80, $0x38;
	[tilespmem:$0x17900] =	vst v63  }
0x44: {  	s0 =	smov.u32 s26;
	s26 =	sadd.s32 $0x20, s26;
	_ =	swait.ge @!p3 [sflag:s31], $0x80  }
0x45: {  	p2 =	por p3, p3;
	p4 =	sne.s32 s26, $0x500;
	[sflag:s31] =	ssyncset.done @!p3 $0x0  }
0x46: {  	s2 =	simm.s32 @!p2 $0x80;
	[sflag:s31] =	ssyncadd.s32 @!p2 $0xFFFFFF80  }
0x47: {  	[tilespmem:s2], [sflag:$0x2] =	stream.linear.gather @!p2 [hbm4b:s25+s30], $0x4000, $0x38;
	[tilespmem:$0x17900] =	vst v63  }
0x48: {  	_ =	swait.ge @!p2 [sflag:s31], $0x4000  }
.Ltmp0:
0x49: {  	[sflag:s31] =	ssyncset.done @!p2 $0x0;
	(pc) =	sbr.rel @p4 .LBB2_2-.Ltmp0, $4  }
0x4a: {  	s29 =	simm.s32 @!p2 $0x1;
	[sflag:s31] =	ssyncadd.s32 @!p2 $0xFFFFC000  }
0x4b: {  	[spmem:s1] =	stream.indirect.scatter.add.f32 @!p2 [tilespmem:s2], [sflag:$0x1], $0x80, s30, s2, $0xb8;
	[tilespmem:$0x17900] =	vst v63  }
0x4c: {  	s0 =	sadd.s32 s0, s5;
	s28 =	sadd.s32 $0x200, s28;
	_ =	swait.ge @!p2 [sflag:s29], $0x4000  }
0x4d: {  	p3 =	sgt.u32 s0, $0x4E1;
	s25 =	sadd.s32 $0x10000, s25;
	[sflag:s29] =	ssyncset.done @!p2 $0x0  }
0x4e: {  	s0 =	simm.s32 @!p3 $0x0;
	s2 =	simm.s32 @!p3 $0x2;
	[sflag:s29] =	ssyncadd.s32 @!p2 $0xFFFFC000  }
0x4f: {  	[tilespmem:s0], [sflag:$0x2] =	stream.linear.gather @!p3 [hbm4b:s28+s0], $0x80, $0x38;
	[tilespmem:$0x17900] =	vst v63  }
0x50: {  	_ =	swait.ge @!p3 [sflag:s2], $0x80  }
0x51: {  	p2 =	por p3, p3;
	[sflag:s2] =	ssyncset.done @!p3 $0x0  }
0x52: {  	s26 =	simm.s32 @!p2 $0x80;
	[sflag:s2] =	ssyncadd.s32 @!p2 $0xFFFFFF80  }
0x53: {  	[tilespmem:s26], [sflag:$0x2] =	stream.linear.gather @!p2 [hbm4b:s25+s0], $0x4000, $0x38;
	[tilespmem:$0x17900] =	vst v63  }
0x54: {  	_ =	swait.ge @!p2 [sflag:s2], $0x4000  }
0x55: {  	[sflag:s2] =	ssyncset.done @!p2 $0x0  }
0x56: {  	[sflag:s2] =	ssyncadd.s32 @!p2 $0xFFFFC000;
	s2 =	simm.s32 @!p2 $0x1  }
0x57: {  	[spmem:s1] =	stream.indirect.scatter.add.f32 @!p2 [tilespmem:s26], [sflag:$0x1], $0x80, s0, s26, $0xb8;
	[tilespmem:$0x17900] =	vst v63  }
0x58: {  	_ =	swait.ge @!p2 [sflag:s2], $0x4000  }
0x59: {  	[sflag:s2] =	ssyncset.done @!p2 $0x0  }
0x5a: {  	[sflag:s2] =	ssyncadd.s32 @!p2 $0xFFFFC000  }
0x5b: {  	[bflag:$0x0] =	sbarrier.arrive $0xFFFF  }
0x5c: {  	[tilespmem:s21], [sflag:$0x2] =	stream.linear.gather [spmem:s9], $0x4000, $0x38;
	[tilespmem:$0x17900] =	vst v63  }
0x5d: {  	_ =	swait.ge [sflag:s23], $0x4000  }
0x5e: {  	[sflag:s23] =	ssyncset.done $0x0  }
0x5f: {  	[sflag:s23] =	ssyncadd.s32 $0xFFFFC000  }
0x60: {  	[hbm4b:s14+s3] =	stream.linear.scatter [tilespmem:s21], [sflag:$0x1], $0x4000, $0x38;
	[tilespmem:$0x17900] =	vst v63  }
0x61: {  	_ =	swait.ge [sflag:s22], $0x4000  }
0x62: {  	[sflag:s22] =	ssyncset.done $0x0  }
0x63: {  	[sflag:s22] =	ssyncadd.s32 $0xFFFFC000  }
0x64: {  	[tilespmem:s21], [sflag:$0x2] =	stream.linear.gather [spmem:s10], $0x4000, $0x38;
	[tilespmem:$0x17900] =	vst v63  }
0x65: {  	_ =	swait.ge [sflag:s23], $0x4000  }
0x66: {  	[sflag:s23] =	ssyncset.done $0x0  }
0x67: {  	[sflag:s23] =	ssyncadd.s32 $0xFFFFC000  }
0x68: {  	[hbm4b:s15+s3] =	stream.linear.scatter [tilespmem:s21], [sflag:$0x1], $0x4000, $0x38;
	[tilespmem:$0x17900] =	vst v63  }
0x69: {  	_ =	swait.ge [sflag:s22], $0x4000  }
0x6a: {  	[sflag:s22] =	ssyncset.done $0x0  }
0x6b: {  	[sflag:s22] =	ssyncadd.s32 $0xFFFFC000  }
0x6c: {  	[tilespmem:s21], [sflag:$0x2] =	stream.linear.gather [spmem:s11], $0x4000, $0x38;
	[tilespmem:$0x17900] =	vst v63  }
0x6d: {  	_ =	swait.ge [sflag:s23], $0x4000  }
0x6e: {  	[sflag:s23] =	ssyncset.done $0x0  }
0x6f: {  	[sflag:s23] =	ssyncadd.s32 $0xFFFFC000  }
0x70: {  	[hbm4b:s16+s3] =	stream.linear.scatter [tilespmem:s21], [sflag:$0x1], $0x4000, $0x38;
	[tilespmem:$0x17900] =	vst v63  }
0x71: {  	_ =	swait.ge [sflag:s22], $0x4000  }
0x72: {  	[sflag:s22] =	ssyncset.done $0x0  }
0x73: {  	[sflag:s22] =	ssyncadd.s32 $0xFFFFC000  }
0x74: {  	[tilespmem:s21], [sflag:$0x2] =	stream.linear.gather [spmem:s12], $0x4000, $0x38;
	[tilespmem:$0x17900] =	vst v63  }
0x75: {  	_ =	swait.ge [sflag:s23], $0x4000  }
0x76: {  	[sflag:s23] =	ssyncset.done $0x0  }
0x77: {  	[sflag:s23] =	ssyncadd.s32 $0xFFFFC000  }
0x78: {  	[hbm4b:s17+s3] =	stream.linear.scatter [tilespmem:s21], [sflag:$0x1], $0x4000, $0x38;
	[tilespmem:$0x17900] =	vst v63  }
0x79: {  	_ =	swait.ge [sflag:s22], $0x4000  }
0x7a: {  	[sflag:s22] =	ssyncset.done $0x0  }
0x7b: {  	s0 =	simm.s32 @!p1 $0x80;
	s2 =	simm.s32 @!p1 $0x1;
	[sflag:s22] =	ssyncadd.s32 $0xFFFFC000  }
0x7c: {  	[tilespmem:s0], [sflag:$0x1] =	stream.linear.gather @!p1 [spmem:s6], $0x800, $0x38;
	[tilespmem:$0x17900] =	vst v63  }
0x7d: {  	_ =	swait.ge @!p1 [sflag:s2], $0x800  }
0x7e: {  	[sflag:s2] =	ssyncset.done @!p1 $0x0  }
0x7f: {  	s25 =	simm.s32 @!p1 $0x0;
	[sflag:s2] =	ssyncadd.s32 @!p1 $0xFFFFF800  }
0x80: {  	[hbm4b:s7+s25] =	stream.linear.scatter @!p1 [tilespmem:s0], [sflag:$0x1], $0x800, $0x38;
	[tilespmem:$0x17900] =	vst v63  }
0x81: {  	_ =	swait.ge @!p1 [sflag:s2], $0x800  }
0x82: {  	[sflag:s2] =	ssyncset.done @!p1 $0x0  }
0x83: {  	s0 =	simm.s32 @!p0 $0x80;
	[sflag:s2] =	ssyncadd.s32 @!p1 $0xFFFFF800;
	s2 =	simm.s32 @!p0 $0x2  }
0x84: {  	[tilespmem:s0], [sflag:$0x2] =	stream.linear.gather @!p0 [spmem:s13], $0x4000, $0x38;
	[tilespmem:$0x17900] =	vst v63  }
0x85: {  	_ =	swait.ge @!p0 [sflag:s2], $0x4000  }
0x86: {  	s24 =	sadd.s32 $0x1, s24;
	[sflag:s2] =	ssyncset.done @!p0 $0x0  }
0x87: {  	p2 =	sne.s32 s24, s8;
	[sflag:s2] =	ssyncadd.s32 @!p0 $0xFFFFC000;
	s2 =	simm.s32 @!p0 $0x0  }
0x88: {  	[hbm4b:s18+s2] =	stream.linear.scatter @!p0 [tilespmem:s0], [sflag:$0x1], $0x4000, $0x38;
	[tilespmem:$0x17900] =	vst v63  }
.Ltmp1:
0x89: {  	_ = 	snop;
	(pc) =	sbr.rel @p2 .LBB2_1-.Ltmp1, $4  }
0x8a: {  	s0 =	simm.s32 @!p0 $0x1  }
0x8b: {  	_ =	swait.ge @!p0 [sflag:s0], $0x4000  }
0x8c: {  	[sflag:s0] =	ssyncset.done @!p0 $0x0  }
0x8d: {  	[sflag:s0] =	ssyncadd.s32 @!p0 $0xFFFFC000  }
0x8e: {  	_ =	sfence.sel $0x180000  }
0x8f: {  	[bflag:$0x0] =	sbarrier.arrive $0xFFFF  }
0x90: {  	_ =	strace $0x9000004D  }
0x91: {  	s0 =	stileid.u32;
	[bflag:$0x2] =	sbarrier.arrive $0xFFFF  }
0x92: {  	p0 =	sne.s32 s0, $0x0;
	s0 =	rddreg [dreg:$0x3]  }
0x93: {  	s0 =	sadd.s32 @!p0 $0x100000, s0  }
0x94: {  	[sflag:s0] =	ssyncadd.tile.s32 @!p0 $0x1;
	_ =	shalt  }
.Lfunc_end2:
_tile_overlayer_lowered:
.L_overlay_start_2:
0x95: {  	(tag) =	ssettag $0x2  }
0x96: {  	s0 =	rddreg [dreg:$0x0];
	s2 =	stileid.u32  }
0x97: {  	s1 =	rddreg [dreg:$0x1];
	p0 =	sne.s32 s2, $0x0  }
0x98: {  	s3 =	rddreg [dreg:$0x2];
	[bflag:$0x3] =	sbarrier.arrive $0xFFFF;
	s2 =	simm.s32 @!p0 $0x1C01  }
0x99: {  	[timem:s3], [sflag:s2] =	dma.local @!p0 [hbm:s0], s1  }
0x9a: {  	s0 =	simm.s32 @!p0 $0x1  }
0x9b: {  	_ =	swait.ge @!p0 [sflag:s0], s1  }
0x9c: {  	s1 =	ssub.s32 @!p0 $0x0, s1;
	[sflag:s0] =	ssyncset.done @!p0 $0x0  }
0x9d: {  	[sflag:s0] =	ssyncadd.s32 @!p0 s1  }
0x9e: {  	[bflag:$0x3] =	sbarrier.arrive $0xFFFF  }
0x9f: {  	_ =	shalt  }

// kernel: kernel.9.cloned.1.call-start
scs
__scs_entry_jumppad:
0x0: {  	(pc) =	sbr.rel $0x88, $3  }
0x1: {  	(tag) =	ssettag $0x0;
	lr =	simm.s32 $0x1  }
0x2: {  	[smem:$0x3F92] =	sst lr;
	_ =	strace $0xD0000000  }
0x3: {  	_ = 	snop  }
0x4: {  	_ = 	snop  }
0x5: {  	_ = 	snop  }
0x6: {  	_ = 	snop  }
0x7: {  	_ = 	snop  }
__scs_overlays_trampoline_lowered:
0x8: {  	[smem:$0x3FA1] =	sst s0  }
0x9: {  	[smem:$0x3FA2] =	sst s1  }
0xa: {  	[smem:$0x3FA3] =	sst s2  }
0xb: {  	[smem:$0x3FA4] =	sst s3  }
0xc: {  	[smem:$0x3FA5] =	sst s4  }
0xd: {  	[smem:$0x3FA6] =	sst s5  }
0xe: {  	[smem:$0x3FA7] =	sst s6  }
0xf: {  	[smem:$0x3FA8] =	sst s7  }
0x10: {  	[smem:$0x3FA9] =	sst s8  }
0x11: {  	[smem:$0x3FAA] =	sst s9;
	s0 =	simm.s32 @!p0 $0x0  }
0x12: {  	s1 =	sld [smem:$0x3F90];
	s0 =	simm.s32 @p0 $0x1  }
0x13: {  	[smem:$0x3FAB] =	sst s0;
	s0 =	simm.s32 @!p1 $0x0  }
0x14: {  	s2 =	sld [smem:$0x3F8F];
	s0 =	simm.s32 @p1 $0x1  }
0x15: {  	[smem:$0x3FAC] =	sst s0;
	s0 =	simm.s32 @!p2 $0x0  }
0x16: {  	s3 =	sld [smem:$0x3FDB];
	s0 =	simm.s32 @p2 $0x1  }
0x17: {  	s4 =	simm.s32 $0x1BF5;
	[smem:$0x3FAE] =	sst s0  }
0x18: {  	s0 =	sld [smem:$0x3F91];
	_ =	swait.ge [sflag:s4], $0x0  }
0x19: {  	s7 =	sld [smem:$0x3F92]  }
0x1a: {  	s8 =	sadd.s32 $0xFFFFE003, lr  }
0x1b: {  	s9 =	sadd.s32 $0xFFFFFEF7, lr;
	s5 =	simm.s32 $0xFFFFFFFF;
	p2 =	slt.u32 s8, $0xFFFFF086  }
0x1c: {  	p1 =	slt.u32 s9, $0xF7A;
	s5 =	simm.s32 @!p2 $0x0  }
0x1d: {  	s5 =	simm.s32 @p1 $0x1;
	p0 =	seq.s32 s7, s2  }
0x1e: {  	s7 =	smul.u32 @!p0 $0xF7A, s2;
	p2 =	seq.s32 @!p0 s5, $0x0  }
0x1f: {  	s9 =	smul.u32 $0xF7A, s1;
	s8 =	simm.s32 @!p0 $0x1BF5;
	p2 =	por !p2, p0  }
0x20: {  	[sflag:s8] =	ssyncset.s32 @!p0 $0xFFFFF086;
	s6 =	sadd.s32 @!p0 s3, s7;
	s7 =	simm.s32 @!p0 $0x108  }
0x21: {  	s3 =	sadd.s32 s3, s9;
	s6 =	sadd.s32 @!p0 $0x88, s6;
	s7 =	simm.s32 @p2 $0x1082  }
0x22: {  	[simem:s7], [sflag:s8] =	dma.local @!p0 [hbm:s6], $0xF7A  }
0x23: {  	s9 =	sor.u32 $0xD0000000, s2;
	s6 =	simm.s32 $0x108;
	_ =	swait.ge @!p0 [sflag:s8], $0x0  }
0x24: {  	s3 =	sadd.s32 $0x88, s3;
	s6 =	simm.s32 @!p1 $0x1082;
	[sflag:s4] =	ssyncset.s32 $0xFFFFF086  }
0x25: {  	[simem:s6], [sflag:s4] =	dma.local [hbm:s3], $0xF7A  }
0x26: {  	[smem:$0x3F92] =	sst s1;
	(tag) =	ssettag s2;
	_ =	strace s9  }
0x27: {  	s1 =	sld [smem:$0x3FA2]  }
0x28: {  	s2 =	sld [smem:$0x3FA3]  }
0x29: {  	s4 =	sld [smem:$0x3FA5]  }
0x2a: {  	p0 =	seq.s32 s5, $0x0;
	s5 =	sld [smem:$0x3FA6]  }
0x2b: {  	s6 =	sld [smem:$0x3FA7]  }
0x2c: {  	s7 =	sld [smem:$0x3FA8]  }
0x2d: {  	s3 =	simm.s32 $0x108;
	s8 =	sld [smem:$0x3FA9]  }
0x2e: {  	s3 =	simm.s32 @!p0 $0x1082;
	s9 =	sld [smem:$0x3FAA]  }
0x2f: {  	lr =	sadd.s32 s0, s3;
	s0 =	sld [smem:$0x3FA1]  }
0x30: {  	s3 =	sld [smem:$0x3FA4]  }
0x31: {  	[smem:$0x3FAD] =	sst s10  }
0x32: {  	s10 =	sld [smem:$0x3FAB];
	_ =	sdelay $0x3  }
0x33: {  	p0 =	seq.s32 s10, $0x1;
	s10 =	sld [smem:$0x3FAD];
	_ =	sdelay $0x3  }
0x34: {  	[smem:$0x3FAD] =	sst s10  }
0x35: {  	s10 =	sld [smem:$0x3FAC];
	_ =	sdelay $0x3  }
0x36: {  	p1 =	seq.s32 s10, $0x1;
	s10 =	sld [smem:$0x3FAD];
	_ =	sdelay $0x3  }
0x37: {  	[smem:$0x3FAD] =	sst s10  }
0x38: {  	s10 =	sld [smem:$0x3FAE]  }
0x39: {  	_ = 	snop;
	(pc) =	sbr.ind lr, $3  }
0x3a: {  	_ = 	snop  }
0x3b: {  	_ = 	snop  }
0x3c: {  	p2 =	seq.s32 s10, $0x1;
	s10 =	sld [smem:$0x3FAD]  }
0x3d: {  	_ =	shalt  }
0x3e: {  	_ =	shalt  }
0x3f: {  	_ =	shalt  }
0x40: {  	_ =	shalt  }
0x41: {  	_ =	shalt  }
0x42: {  	_ =	shalt  }
0x43: {  	_ =	shalt  }
0x44: {  	_ =	shalt  }
0x45: {  	_ =	shalt  }
0x46: {  	_ =	shalt  }
0x47: {  	_ =	shalt  }
0x48: {  	_ =	shalt  }
0x49: {  	_ =	shalt  }
0x4a: {  	_ =	shalt  }
0x4b: {  	_ =	shalt  }
0x4c: {  	_ =	shalt  }
0x4d: {  	_ =	shalt  }
0x4e: {  	_ =	shalt  }
0x4f: {  	_ =	shalt  }
0x50: {  	_ =	shalt  }
0x51: {  	_ =	shalt  }
0x52: {  	_ =	shalt  }
0x53: {  	_ =	shalt  }
0x54: {  	_ =	shalt  }
0x55: {  	_ =	shalt  }
0x56: {  	_ =	shalt  }
0x57: {  	_ =	shalt  }
0x58: {  	_ =	shalt  }
0x59: {  	_ =	shalt  }
0x5a: {  	_ =	shalt  }
0x5b: {  	_ =	shalt  }
0x5c: {  	_ =	shalt  }
0x5d: {  	_ =	shalt  }
0x5e: {  	_ =	shalt  }
0x5f: {  	_ =	shalt  }
0x60: {  	_ =	shalt  }
0x61: {  	_ =	shalt  }
0x62: {  	_ =	shalt  }
0x63: {  	_ =	shalt  }
0x64: {  	_ =	shalt  }
0x65: {  	_ =	shalt  }
0x66: {  	_ =	shalt  }
0x67: {  	_ =	shalt  }
0x68: {  	_ =	shalt  }
0x69: {  	_ =	shalt  }
0x6a: {  	_ =	shalt  }
0x6b: {  	_ =	shalt  }
0x6c: {  	_ =	shalt  }
0x6d: {  	_ =	shalt  }
0x6e: {  	_ =	shalt  }
0x6f: {  	_ =	shalt  }
0x70: {  	_ =	shalt  }
0x71: {  	_ =	shalt  }
0x72: {  	_ =	shalt  }
0x73: {  	_ =	shalt  }
0x74: {  	_ =	shalt  }
0x75: {  	_ =	shalt  }
0x76: {  	_ =	shalt  }
0x77: {  	_ =	shalt  }
0x78: {  	_ =	shalt  }
0x79: {  	_ =	shalt  }
0x7a: {  	_ =	shalt  }
0x7b: {  	_ =	shalt  }
0x7c: {  	_ =	shalt  }
0x7d: {  	_ =	shalt  }
0x7e: {  	_ =	shalt  }
0x7f: {  	_ =	shalt  }
0x80: {  	_ =	shalt  }
0x81: {  	_ =	shalt  }
0x82: {  	_ =	shalt  }
0x83: {  	_ =	shalt  }
0x84: {  	_ =	shalt  }
0x85: {  	_ =	shalt  }
0x86: {  	_ =	shalt  }
0x87: {  	_ =	shalt  }
.Lfunc_end0:
.L_simem_size_0:
called_computation_lowered:
.L_overlay_start_0:
0x88: {  	s2 =	sld [smem:$0x3FD9]  }
0x89: {  	s3 =	sld [smem:$0x3FFE];
	_ =	sdelay $0x1  }
0x8a: {  	s1 =	srdreg.scid  }
0x8b: {  	s0 =	sand.u32 $0x1, s1  }
0x8c: {  	s17 =	sshll.u32 s0, $0xA;
	s2 =	sadd.s32 s3, s2  }
0x8d: {  	s2 =	sadd.s32 s2, s17  }
0x8e: {  	[smem:$0x3FB9] =	sst s2  }
0x8f: {  	_ = 	snop  }
0x90: {  	s2 =	sld [smem:$0x3FC9]  }
0x91: {  	s18 =	sld [smem:$0x3FC5]  }
0x92: {  	s4 =	sld [smem:$0x3FD0];
	(tm) =	ssettm $0x1  }
0x93: {  	s5 =	sld [smem:$0x3FFB];
	_ =	sdelay $0x3  }
0x94: {  	_ =	strace s5  }
0x95: {  	s5 =	sld [smem:$0x3FFC];
	_ =	sdelay $0x3  }
0x96: {  	_ =	strace s5  }
0x97: {  	s5 =	sld [smem:$0x3FFD];
	_ =	sdelay $0x3  }
0x98: {  	_ =	strace s5  }
0x99: {  	_ =	strace $0x8FFFFFFF  }
0x9a: {  	s19 =	sld [smem:$0x3FDB];
	_ =	sdelay $0x1  }
0x9b: {  	s6 =	simm.s32 $_scs_section_size  }
0x9c: {  	s7 =	simm.s32 $_size__tile_overlayer_lowered;
	s8 =	simm.s32 $_tile_overlayer_lowered  }
0x9d: {  	s22 =	simm.s32 $0x1BFF;
	s21 =	sshll.u32 s8, $0x1;
	s5 =	sadd.s32 s6, s19  }
0x9e: {  	s9 =	simm.s32 $0x0;
	s20 =	sshll.u32 s7, $0x1;
	s7 =	sadd.s32 s21, s5  }
0x9f: {  	[timem:s9], [sflag:s22] =	dma.local [hbm:s7], s20  }
0xa0: {  	_ =	swait.ge [sflag:s22], s20  }
0xa1: {  	s6 =	ssub.s32 $0x0, s20;
	[sflag:s22] =	ssyncset.done $0x0  }
0xa2: {  	[sflag:s22] =	ssyncadd.s32 s6;
	_ =	sdelay $0x1  }
0xa3: {  	s23 =	simm.s32 $0x1B8B  }
0xa4: {  	_ =	swait.ge [sflag:s23], $0x1  }
0xa5: {  	[sflag:s23] =	ssyncset.done $0x0  }
0xa6: {  	s25 =	simm.s32 $0x1B8E;
	s24 =	sld [smem:$0x3FFE];
	[sflag:s23] =	ssyncadd.s32 $0xFFFFFFFF  }
0xa7: {  	s26 =	simm.s32 $execute0_lowered;
	[smem:$0x3FD2] =	sst s25  }
0xa8: {  	s7 =	sshll.u32 s26, $0x1;
	_ =	strace $0x80000046;
	[dreg:$0x1] =	wrdreg $0xFFFFFFFF  }
0xa9: {  	s28 =	simm.s32 $_size_execute0_lowered;
	s5 =	sadd.s32 s5, s7;
	[dreg:$0x0] =	wrdreg $0x0  }
0xaa: {  	s7 =	sshll.u32 s28, $0x1;
	[dreg:$0x2] =	wrdreg s5  }
0xab: {  	[dreg:$0x3] =	wrdreg s7  }
0xac: {  	[dreg:$0x4] =	wrdreg $0xC0  }
0xad: {  	_ =	task [dreg:s9], $0x5FFFF  }
0xae: {  	[dreg:$0x1] =	wrdreg $0xFFFFFFFF  }
0xaf: {  	[dreg:$0x0] =	wrdreg $0x60  }
0xb0: {  	[dreg:$0x2] =	wrdreg s2  }
0xb1: {  	[dreg:$0x3] =	wrdreg s24  }
0xb2: {  	[dreg:$0x4] =	wrdreg s18  }
0xb3: {  	[dreg:$0x5] =	wrdreg s4  }
0xb4: {  	[dreg:$0x6] =	wrdreg $0x9  }
0xb5: {  	_ =	task.clear_ibuf [dreg:s9], $0x7FFFF;
	_ =	strace $0x90000046  }
0xb6: {  	s29 =	simm.s32 $0x9;
	_ =	strace $0x80000048  }
0xb7: {  	_ =	swait.ge [sflag:s29], $0x1  }
0xb8: {  	[sflag:s29] =	ssyncadd.s32 $0xFFFFFFFF  }
0xb9: {  	_ =	strace $0x90000048  }
0xba: {  	_ =	sfence  }
0xbb: {  	s30 =	sld [smem:$0x0];
	_ =	sdelay $0x2  }
0xbc: {  	s31 =	sshll.u32 s1, $0xD;
	s1 =	sshrl.u32 s1, $0x2  }
0xbd: {  	s3 =	sand.u32 $0x4000, s31;
	s1 =	sadd.s32 s1, s30  }
0xbe: {  	s0 =	sor.u32 s3, s0;
	s1 =	sshll.u32 s1, $0x11  }
0xbf: {  	s0 =	sor.u32 s1, s0  }
0xc0: {  	s0 =	sadd.s32 $0x8F2B, s0  }
0xc1: {  	[sflag:s0] =	ssyncadd.remote.s32 $0x1  }
0xc2: {  	_ =	sfence.sel $0xFFFF  }
0xc3: {  	[dreg:$0x0] =	wrdreg $0xFFFFFFFF;
	(pc) =	sbr.abs _section_cstart, $3  }
0xc4: {  	[dreg:$0x1] =	wrdreg $0xFFFFFFFF  }
0xc5: {  	_ =	task.clear_ibuf [dreg:s9], $0x2FFFF;
	_ =	strace $0x9FFFFFFF  }
0xc6: {  	(tm) =	ssettm $0x7FFFFFFF  }
0xc7: {  	_ =	shalt  }
tec
execute0_lowered:
.L_overlay_start_1:
0x0: {  	(tag) =	ssettag $0x1  }
0x1: {  	s12 =	rddreg [dreg:$0x0]  }
0x2: {  	s0 =	rddreg [dreg:$0x1]  }
0x3: {  	s3 =	rddreg [dreg:$0x2]  }
0x4: {  	s4 =	rddreg [dreg:$0x3];
	s5 =	simm.s32 $0x0  }
0x5: {  	s11 =	stileid.u32;
	s2 =	srdreg.scid;
	s15 =	simm.s32 $0x2  }
0x6: {  	s28 =	simm.s32 $0x7100;
	s29 =	simm.s32 $0x7900;
	s30 =	simm.s32 $0x8100  }
0x7: {  	s31 =	simm.s32 $0x8900;
	[smem:$0x7FF] =	sst s5;
	s1 =	sshll.u32 s11, $0x5  }
0x8: {  	s2 =	sand.u32 $0x1, s2;
	s7 =	sshll.u32 s11, $0xD;
	s8 =	smul.u32 $0x1400, s11  }
0x9: {  	s6 =	sadd.s32 $0xD000, s0;
	s17 =	sshll.u32 s11, $0x1;
	s20 =	smul.u32 $0x14, s11  }
0xa: {  	_ =	strace $0x80000047;
	s1 =	sadd.s32 s1, s0;
	s9 =	ssub.s32 $0x2, s2  }
0xb: {  	s7 =	sadd.s32 s7, s0;
	s18 =	sshll.u32 s2, $0x4;
	s23 =	smul.u32 $0xA00, s2  }
0xc: {  	s19 =	sshll.u32 s2, $0xC;
	s24 =	smul.u32 $0xA, s2;
	s10 =	sshrl.u32 s9, $0x1  }
0xd: {  	s0 =	sadd.s32 s8, s0;
	s1 =	sadd.s32 s18, s1;
	s7 =	sadd.s32 s19, s7  }
0xe: {  	s26 =	sadd.s32 s20, s12;
	s18 =	simm.s32 $0x2900;
	s19 =	simm.s32 $0x3100  }
0xf: {  	s20 =	simm.s32 $0x3900;
	s16 =	ssub.s32 s9, s10;
	s21 =	sadd.s32 $0x3000, s1  }
0x10: {  	s22 =	sadd.s32 $0x5B200, s7;
	s10 =	sor.u32 s2, s17;
	s1 =	sadd.s32 $0x8000, s1  }
0x11: {  	s25 =	sadd.s32 $0x53D200, s7;
	s0 =	sadd.s32 s23, s0;
	[dreg:$0x6] =	wrdreg s21  }
0x12: {  	s17 =	simm.s32 $0x3;
	s23 =	simm.s32 $0x5100;
	[dreg:$0x7] =	wrdreg s22  }
0x13: {  	s2 =	simm.s32 $0x9900;
	s7 =	simm.s32 $0x1;
	[dreg:$0x8] =	wrdreg s1  }
0x14: {  	s9 =	simm.s32 $0x0;
	s8 =	smax.u32 s16, $0x1;
	[dreg:$0x9] =	wrdreg s25  }
.Ltmp0:
0x15: {  	s1 =	sadd.s32 s24, s26;
	s0 =	sadd.s32 $0xA1F200, s0;
	(pc) =	sbr.rel .LBB2_1-.Ltmp0, $4  }
0x16: {  	s16 =	simm.s32 $0x2780;
	s21 =	simm.s32 $0x4100;
	[dreg:$0x5] =	wrdreg s8  }
0x17: {  	v2 =	vlaneseq.u32;
	s22 =	simm.s32 $0x4900;
	s24 =	simm.s32 $0x5900;
	[dreg:$0xa] =	wrdreg s1  }
0x18: {  	vm0 =	vmmov $0xffff;
	v1 =	vshrl.u32 v2, $0x3;
	s25 =	simm.s32 $0x6100;
	s26 =	simm.s32 $0x6900;
	[dreg:$0xb] =	wrdreg s0  }
0x19: {  	v0 =	vand.u32 $0x7, v2;
	v2 =	vor.u32 $0x8, v2;
	v1 =	vmul.u32 $0x8, v1;
	s0 =	simm.s32 $0x9100;
	s1 =	simm.s32 $0xA100;
	s8 =	simm.s32 $0x2880  }
.LBB2_13:
0x1a: {  	s9 =	sadd.s32 $0x1, s9;
	s11 =	rddreg [dreg:$0x5]  }
0x1b: {  	p0 =	sne.s32 s9, s11  }
.Ltmp1:
0x1c: {  	_ = 	snop;
	(pc) =	sbr.rel @!p0 .LBB2_14-.Ltmp1, $1  }
0x1d: {  	_ =	sdelay $0x3  }
.LBB2_1:
.Ltmp2:
0x1e: {  	s11 =	rddreg [dreg:$0x0];
	(pc) =	sbr.rel .LBB2_2-.Ltmp2, $4  }
0x1f: {  	[tilespmem:s5], [sflag:$0x2] =	stream.linear.gather [hbm4b:s11+s5], $0x2780, $0x38;
	[tilespmem:$0xA900] =	vst v63  }
0x20: {  	_ =	swait.ge [sflag:s15], $0x2780  }
0x21: {  	[sflag:s15] =	ssyncset.done $0x0;
	s11 =	rddreg [dreg:$0x7]  }
0x22: {  	s13 =	simm.s32 $0x0;
	s12 =	rddreg [dreg:$0x6];
	[sflag:s15] =	ssyncadd.s32 $0xFFFFD880  }
.LBB2_4:
0x23: {  	s13 =	sadd.s32 $0x20, s13  }
0x24: {  	p0 =	sne.s32 s13, $0x500  }
.Ltmp3:
0x25: {  	_ = 	snop;
	(pc) =	sbr.rel @!p0 .LBB2_5-.Ltmp3, $2  }
0x26: {  	_ =	sdelay $0x2  }
0x27: {  	s12 =	sadd.s32 $0x200, s12;
	s11 =	sadd.s32 $0x20000, s11  }
.LBB2_2:
0x28: {  	s14 =	sadd.s32 s13, s10  }
0x29: {  	p0 =	sgt.u32 s14, $0x4E1  }
.Ltmp4:
0x2a: {  	_ = 	snop;
	(pc) =	sbr.rel @p0 .LBB2_4-.Ltmp4, $1  }
0x2b: {  	_ =	sdelay $0x3  }
0x2c: {  	[tilespmem:s16], [sflag:$0x3] =	stream.linear.gather [hbm4b:s12+s5], $0x80, $0x38;
	[tilespmem:$0xA900] =	vst v63  }
0x2d: {  	_ =	swait.ge [sflag:s17], $0x80  }
0x2e: {  	[sflag:s17] =	ssyncset.done $0x0  }
0x2f: {  	[sflag:s17] =	ssyncadd.s32 $0xFFFFFF80  }
0x30: {  	v3 =	vld [tilespmem:$0x2780];
	_ =	sdelay $0x5  }
0x31: {  	v4 =	vld [tilespmem:$0x2790];
	_ =	sdelay $0x1  }
0x32: {  	v3 =	vld.idx.msk [tilespmem:v3+s5+$0x0], $0xffff;
	_ =	sdelay $0x3  }
0x33: {  	v5 =	vld [tilespmem:$0x27A0]  }
0x34: {  	[tilespmem:$0x2800] =	vst v3  }
0x35: {  	v4 =	vld.idx.msk [tilespmem:v4+s5+$0x0], $0xffff;
	_ =	sdelay $0x3  }
0x36: {  	v6 =	vld [tilespmem:$0x27B0]  }
0x37: {  	[tilespmem:$0x2810] =	vst v4  }
0x38: {  	v4 =	vld.idx.msk [tilespmem:v5+s5+$0x0], $0xffff;
	_ =	sdelay $0x3  }
0x39: {  	v50 =	vld [tilespmem:$0x27C0]  }
0x3a: {  	[tilespmem:$0x2820] =	vst v4  }
0x3b: {  	v4 =	vld.idx.msk [tilespmem:v6+s5+$0x0], $0xffff;
	_ =	sdelay $0x3  }
0x3c: {  	v51 =	vld [tilespmem:$0x27D0]  }
0x3d: {  	[tilespmem:$0x2830] =	vst v4  }
0x3e: {  	v4 =	vld.idx.msk [tilespmem:v50+s5+$0x0], $0xffff;
	_ =	sdelay $0x3  }
0x3f: {  	v52 =	vld [tilespmem:$0x27E0]  }
0x40: {  	[tilespmem:$0x2840] =	vst v4  }
0x41: {  	v4 =	vld.idx.msk [tilespmem:v51+s5+$0x0], $0xffff;
	_ =	sdelay $0x3  }
0x42: {  	v53 =	vld [tilespmem:$0x27F0]  }
0x43: {  	[tilespmem:$0x2850] =	vst v4  }
0x44: {  	v4 =	vld.idx.msk [tilespmem:v52+s5+$0x0], $0xffff;
	_ =	sdelay $0x1  }
0x45: {  	v54 =	vshll.u32 v3, $0x1  }
0x46: {  	v3 =	vand.u32 $0x7, v3;
	v5 =	vand.u32 $0xFFFFFFF0, v54  }
0x47: {  	v3 =	vor.u32 v3, v5  }
0x48: {  	v55 =	vperm.xlane v3, v0;
	[tilespmem:$0x2860] =	vst v4  }
0x49: {  	v56 =	vld.idx.msk [tilespmem:v53+s5+$0x0], $0xffff  }
0x4a: {  	v3 =	vperm.xlane v3, v2;
	v4 =	vadd.s32 v1, v55;
	_ =	sdelay $0x1  }
0x4b: {  	v3 =	vadd.s32 v1, v3;
	_ =	sdelay $0x1  }
0x4c: {  	[tilespmem:$0x2870] =	vst v56  }
0x4d: {  	[tilespmem:s18], [sflag:$0x1] =	stream.indirect_vreg.gather [hbm4b:s3+s5], $0x80, v4, vm0, $0xb8;
	[tilespmem:$0xA900] =	vst v63  }
0x4e: {  	_ = 	snop  }
0x4f: {  	[tilespmem:s19], [sflag:$0x1] =	stream.indirect_vreg.gather [hbm4b:s3+s5], $0x80, v3, vm0, $0xb8;
	[tilespmem:$0xA900] =	vst v63  }
0x50: {  	v3 =	vld [tilespmem:$0x2810];
	_ =	sdelay $0x4  }
0x51: {  	v57 =	vshll.u32 v3, $0x1  }
0x52: {  	v3 =	vand.u32 $0x7, v3;
	v4 =	vand.u32 $0xFFFFFFF0, v57  }
0x53: {  	v3 =	vor.u32 v3, v4  }
0x54: {  	v4 =	vperm.xlane v3, v0;
	_ =	sdelay $0x1  }
0x55: {  	v3 =	vperm.xlane v3, v2;
	v4 =	vadd.s32 v1, v4;
	_ =	sdelay $0x1  }
0x56: {  	v3 =	vadd.s32 v1, v3;
	_ =	sdelay $0x2  }
0x57: {  	[tilespmem:s20], [sflag:$0x1] =	stream.indirect_vreg.gather [hbm4b:s3+s5], $0x80, v4, vm0, $0xb8;
	[tilespmem:$0xA900] =	vst v63  }
0x58: {  	_ = 	snop  }
0x59: {  	[tilespmem:s21], [sflag:$0x1] =	stream.indirect_vreg.gather [hbm4b:s3+s5], $0x80, v3, vm0, $0xb8;
	[tilespmem:$0xA900] =	vst v63  }
0x5a: {  	v3 =	vld [tilespmem:$0x2820];
	_ =	sdelay $0x4  }
0x5b: {  	v58 =	vshll.u32 v3, $0x1  }
0x5c: {  	v3 =	vand.u32 $0x7, v3;
	v4 =	vand.u32 $0xFFFFFFF0, v58  }
0x5d: {  	v3 =	vor.u32 v3, v4  }
0x5e: {  	v4 =	vperm.xlane v3, v0;
	_ =	sdelay $0x1  }
0x5f: {  	v3 =	vperm.xlane v3, v2;
	v4 =	vadd.s32 v1, v4;
	_ =	sdelay $0x1  }
0x60: {  	v3 =	vadd.s32 v1, v3;
	_ =	sdelay $0x2  }
0x61: {  	[tilespmem:s22], [sflag:$0x1] =	stream.indirect_vreg.gather [hbm4b:s3+s5], $0x80, v4, vm0, $0xb8;
	[tilespmem:$0xA900] =	vst v63  }
0x62: {  	_ = 	snop  }
0x63: {  	[tilespmem:s23], [sflag:$0x1] =	stream.indirect_vreg.gather [hbm4b:s3+s5], $0x80, v3, vm0, $0xb8;
	[tilespmem:$0xA900] =	vst v63  }
0x64: {  	v3 =	vld [tilespmem:$0x2830];
	_ =	sdelay $0x4  }
0x65: {  	v59 =	vshll.u32 v3, $0x1  }
0x66: {  	v3 =	vand.u32 $0x7, v3;
	v4 =	vand.u32 $0xFFFFFFF0, v59  }
0x67: {  	v3 =	vor.u32 v3, v4  }
0x68: {  	v4 =	vperm.xlane v3, v0;
	_ =	sdelay $0x1  }
0x69: {  	v3 =	vperm.xlane v3, v2;
	v4 =	vadd.s32 v1, v4;
	_ =	sdelay $0x1  }
0x6a: {  	v3 =	vadd.s32 v1, v3;
	_ =	sdelay $0x2  }
0x6b: {  	[tilespmem:s24], [sflag:$0x1] =	stream.indirect_vreg.gather [hbm4b:s3+s5], $0x80, v4, vm0, $0xb8;
	[tilespmem:$0xA900] =	vst v63  }
0x6c: {  	_ = 	snop  }
0x6d: {  	[tilespmem:s25], [sflag:$0x1] =	stream.indirect_vreg.gather [hbm4b:s3+s5], $0x80, v3, vm0, $0xb8;
	[tilespmem:$0xA900] =	vst v63  }
0x6e: {  	v3 =	vld [tilespmem:$0x2840];
	_ =	sdelay $0x4  }
0x6f: {  	v60 =	vshll.u32 v3, $0x1  }
0x70: {  	v3 =	vand.u32 $0x7, v3;
	v4 =	vand.u32 $0xFFFFFFF0, v60  }
0x71: {  	v3 =	vor.u32 v3, v4  }
0x72: {  	v4 =	vperm.xlane v3, v0;
	_ =	sdelay $0x1  }
0x73: {  	v3 =	vperm.xlane v3, v2;
	v4 =	vadd.s32 v1, v4;
	_ =	sdelay $0x1  }
0x74: {  	v3 =	vadd.s32 v1, v3;
	_ =	sdelay $0x2  }
0x75: {  	[tilespmem:s26], [sflag:$0x1] =	stream.indirect_vreg.gather [hbm4b:s3+s5], $0x80, v4, vm0, $0xb8;
	[tilespmem:$0xA900] =	vst v63  }
0x76: {  	_ = 	snop  }
0x77: {  	[tilespmem:s28], [sflag:$0x1] =	stream.indirect_vreg.gather [hbm4b:s3+s5], $0x80, v3, vm0, $0xb8;
	[tilespmem:$0xA900] =	vst v63  }
0x78: {  	v3 =	vld [tilespmem:$0x2850];
	_ =	sdelay $0x4  }
0x79: {  	v61 =	vshll.u32 v3, $0x1  }
0x7a: {  	v3 =	vand.u32 $0x7, v3;
	v4 =	vand.u32 $0xFFFFFFF0, v61  }
0x7b: {  	v3 =	vor.u32 v3, v4  }
0x7c: {  	v4 =	vperm.xlane v3, v0;
	_ =	sdelay $0x1  }
0x7d: {  	v3 =	vperm.xlane v3, v2;
	v4 =	vadd.s32 v1, v4;
	_ =	sdelay $0x1  }
0x7e: {  	v3 =	vadd.s32 v1, v3;
	_ =	sdelay $0x2  }
0x7f: {  	[tilespmem:s29], [sflag:$0x1] =	stream.indirect_vreg.gather [hbm4b:s3+s5], $0x80, v4, vm0, $0xb8;
	[tilespmem:$0xA900] =	vst v63  }
0x80: {  	_ = 	snop  }
0x81: {  	[tilespmem:s30], [sflag:$0x1] =	stream.indirect_vreg.gather [hbm4b:s3+s5], $0x80, v3, vm0, $0xb8;
	[tilespmem:$0xA900] =	vst v63  }
0x82: {  	v3 =	vld [tilespmem:$0x2860];
	_ =	sdelay $0x4  }
0x83: {  	v62 =	vshll.u32 v3, $0x1  }
0x84: {  	v3 =	vand.u32 $0x7, v3;
	v4 =	vand.u32 $0xFFFFFFF0, v62  }
0x85: {  	v3 =	vor.u32 v3, v4  }
0x86: {  	v4 =	vperm.xlane v3, v0;
	_ =	sdelay $0x1  }
0x87: {  	v3 =	vperm.xlane v3, v2;
	v4 =	vadd.s32 v1, v4;
	_ =	sdelay $0x1  }
0x88: {  	v3 =	vadd.s32 v1, v3;
	_ =	sdelay $0x2  }
0x89: {  	[tilespmem:s31], [sflag:$0x1] =	stream.indirect_vreg.gather [hbm4b:s3+s5], $0x80, v4, vm0, $0xb8;
	[tilespmem:$0xA900] =	vst v63  }
0x8a: {  	_ = 	snop  }
0x8b: {  	[tilespmem:s0], [sflag:$0x1] =	stream.indirect_vreg.gather [hbm4b:s3+s5], $0x80, v3, vm0, $0xb8;
	[tilespmem:$0xA900] =	vst v63  }
0x8c: {  	v3 =	vld [tilespmem:$0x2870];
	_ =	sdelay $0x4  }
0x8d: {  	v63 =	vshll.u32 v3, $0x1  }
0x8e: {  	v3 =	vand.u32 $0x7, v3;
	v4 =	vand.u32 $0xFFFFFFF0, v63  }
0x8f: {  	v3 =	vor.u32 v3, v4  }
0x90: {  	v4 =	vperm.xlane v3, v0;
	_ =	sdelay $0x1  }
0x91: {  	v3 =	vperm.xlane v3, v2;
	v4 =	vadd.s32 v1, v4;
	_ =	sdelay $0x1  }
0x92: {  	v3 =	vadd.s32 v1, v3;
	_ =	sdelay $0x2  }
0x93: {  	[tilespmem:s2], [sflag:$0x1] =	stream.indirect_vreg.gather [hbm4b:s3+s5], $0x80, v4, vm0, $0xb8;
	[tilespmem:$0xA900] =	vst v63  }
0x94: {  	_ = 	snop  }
0x95: {  	[tilespmem:s1], [sflag:$0x1] =	stream.indirect_vreg.gather [hbm4b:s3+s5], $0x80, v3, vm0, $0xb8;
	[tilespmem:$0xA900] =	vst v63  }
0x96: {  	_ =	swait.ge [sflag:s7], $0x8000  }
0x97: {  	[sflag:s7] =	ssyncset.done $0x0  }
.Ltmp5:
0x98: {  	[sflag:s7] =	ssyncadd.s32 $0xFFFF8000;
	(pc) =	sbr.rel .LBB2_4-.Ltmp5, $4  }
0x99: {  	[hbm4b:s11+s5] =	stream.linear.scatter [tilespmem:s18], [sflag:$0x2], $0x8000, $0x38;
	[tilespmem:$0xA900] =	vst v63  }
0x9a: {  	_ =	swait.ge [sflag:s15], $0x8000  }
0x9b: {  	[sflag:s15] =	ssyncset.done $0x0  }
0x9c: {  	[sflag:s15] =	ssyncadd.s32 $0xFFFF8000  }
.LBB2_5:
.Ltmp6:
0x9d: {  	(pc) =	sbr.rel .LBB2_6-.Ltmp6, $3  }
0x9e: {  	_ =	sdelay $0x1  }
0x9f: {  	s12 =	rddreg [dreg:$0x9]  }
0xa0: {  	s11 =	simm.s32 $0x0;
	s13 =	rddreg [dreg:$0x8]  }
.LBB2_8:
0xa1: {  	s11 =	sadd.s32 $0x20, s11  }
0xa2: {  	p0 =	sne.s32 s11, $0x500  }
.Ltmp7:
0xa3: {  	_ = 	snop;
	(pc) =	sbr.rel @!p0 .LBB2_9-.Ltmp7, $2  }
0xa4: {  	_ =	sdelay $0x2  }
0xa5: {  	s13 =	sadd.s32 $0x200, s13;
	s12 =	sadd.s32 $0x20000, s12  }
.LBB2_6:
0xa6: {  	s14 =	sadd.s32 s11, s10  }
0xa7: {  	p0 =	sgt.u32 s14, $0x4E1  }
.Ltmp8:
0xa8: {  	_ = 	snop;
	(pc) =	sbr.rel @p0 .LBB2_8-.Ltmp8, $1  }
0xa9: {  	_ =	sdelay $0x3  }
0xaa: {  	[tilespmem:s16], [sflag:$0x3] =	stream.linear.gather [hbm4b:s13+s5], $0x80, $0x38;
	[tilespmem:$0xA900] =	vst v63  }
0xab: {  	_ =	swait.ge [sflag:s17], $0x80  }
0xac: {  	[sflag:s17] =	ssyncset.done $0x0  }
0xad: {  	[sflag:s17] =	ssyncadd.s32 $0xFFFFFF80  }
0xae: {  	v3 =	vld [tilespmem:$0x2780];
	_ =	sdelay $0x5  }
0xaf: {  	v4 =	vld [tilespmem:$0x2790];
	_ =	sdelay $0x1  }
0xb0: {  	v3 =	vld.idx.msk [tilespmem:v3+s5+$0x0], $0xffff;
	_ =	sdelay $0x3  }
0xb1: {  	v5 =	vld [tilespmem:$0x27A0]  }
0xb2: {  	[tilespmem:$0x2800] =	vst v3  }
0xb3: {  	v4 =	vld.idx.msk [tilespmem:v4+s5+$0x0], $0xffff;
	_ =	sdelay $0x3  }
0xb4: {  	v6 =	vld [tilespmem:$0x27B0]  }
0xb5: {  	[tilespmem:$0x2810] =	vst v4  }
0xb6: {  	v4 =	vld.idx.msk [tilespmem:v5+s5+$0x0], $0xffff;
	_ =	sdelay $0x3  }
0xb7: {  	v50 =	vld [tilespmem:$0x27C0]  }
0xb8: {  	[tilespmem:$0x2820] =	vst v4  }
0xb9: {  	v4 =	vld.idx.msk [tilespmem:v6+s5+$0x0], $0xffff;
	_ =	sdelay $0x3  }
0xba: {  	v51 =	vld [tilespmem:$0x27D0]  }
0xbb: {  	[tilespmem:$0x2830] =	vst v4  }
0xbc: {  	v4 =	vld.idx.msk [tilespmem:v50+s5+$0x0], $0xffff;
	_ =	sdelay $0x3  }
0xbd: {  	v52 =	vld [tilespmem:$0x27E0]  }
0xbe: {  	[tilespmem:$0x2840] =	vst v4  }
0xbf: {  	v4 =	vld.idx.msk [tilespmem:v51+s5+$0x0], $0xffff;
	_ =	sdelay $0x3  }
0xc0: {  	v53 =	vld [tilespmem:$0x27F0]  }
0xc1: {  	[tilespmem:$0x2850] =	vst v4  }
0xc2: {  	v4 =	vld.idx.msk [tilespmem:v52+s5+$0x0], $0xffff;
	_ =	sdelay $0x1  }
0xc3: {  	v54 =	vshll.u32 v3, $0x1  }
0xc4: {  	v3 =	vand.u32 $0x7, v3;
	v5 =	vand.u32 $0xFFFFFFF0, v54  }
0xc5: {  	v3 =	vor.u32 v3, v5  }
0xc6: {  	v55 =	vperm.xlane v3, v0;
	[tilespmem:$0x2860] =	vst v4  }
0xc7: {  	v56 =	vld.idx.msk [tilespmem:v53+s5+$0x0], $0xffff  }
0xc8: {  	v3 =	vperm.xlane v3, v2;
	v4 =	vadd.s32 v1, v55;
	_ =	sdelay $0x1  }
0xc9: {  	v3 =	vadd.s32 v1, v3;
	_ =	sdelay $0x1  }
0xca: {  	[tilespmem:$0x2870] =	vst v56  }
0xcb: {  	[tilespmem:s18], [sflag:$0x1] =	stream.indirect_vreg.gather [hbm4b:s4+s5], $0x80, v4, vm0, $0xb8;
	[tilespmem:$0xA900] =	vst v63  }
0xcc: {  	_ = 	snop  }
0xcd: {  	[tilespmem:s19], [sflag:$0x1] =	stream.indirect_vreg.gather [hbm4b:s4+s5], $0x80, v3, vm0, $0xb8;
	[tilespmem:$0xA900] =	vst v63  }
0xce: {  	v3 =	vld [tilespmem:$0x2810];
	_ =	sdelay $0x4  }
0xcf: {  	v57 =	vshll.u32 v3, $0x1  }
0xd0: {  	v3 =	vand.u32 $0x7, v3;
	v4 =	vand.u32 $0xFFFFFFF0, v57  }
0xd1: {  	v3 =	vor.u32 v3, v4  }
0xd2: {  	v4 =	vperm.xlane v3, v0;
	_ =	sdelay $0x1  }
0xd3: {  	v3 =	vperm.xlane v3, v2;
	v4 =	vadd.s32 v1, v4;
	_ =	sdelay $0x1  }
0xd4: {  	v3 =	vadd.s32 v1, v3;
	_ =	sdelay $0x2  }
0xd5: {  	[tilespmem:s20], [sflag:$0x1] =	stream.indirect_vreg.gather [hbm4b:s4+s5], $0x80, v4, vm0, $0xb8;
	[tilespmem:$0xA900] =	vst v63  }
0xd6: {  	_ = 	snop  }
0xd7: {  	[tilespmem:s21], [sflag:$0x1] =	stream.indirect_vreg.gather [hbm4b:s4+s5], $0x80, v3, vm0, $0xb8;
	[tilespmem:$0xA900] =	vst v63  }
0xd8: {  	v3 =	vld [tilespmem:$0x2820];
	_ =	sdelay $0x4  }
0xd9: {  	v58 =	vshll.u32 v3, $0x1  }
0xda: {  	v3 =	vand.u32 $0x7, v3;
	v4 =	vand.u32 $0xFFFFFFF0, v58  }
0xdb: {  	v3 =	vor.u32 v3, v4  }
0xdc: {  	v4 =	vperm.xlane v3, v0;
	_ =	sdelay $0x1  }
0xdd: {  	v3 =	vperm.xlane v3, v2;
	v4 =	vadd.s32 v1, v4;
	_ =	sdelay $0x1  }
0xde: {  	v3 =	vadd.s32 v1, v3;
	_ =	sdelay $0x2  }
0xdf: {  	[tilespmem:s22], [sflag:$0x1] =	stream.indirect_vreg.gather [hbm4b:s4+s5], $0x80, v4, vm0, $0xb8;
	[tilespmem:$0xA900] =	vst v63  }
0xe0: {  	_ = 	snop  }
0xe1: {  	[tilespmem:s23], [sflag:$0x1] =	stream.indirect_vreg.gather [hbm4b:s4+s5], $0x80, v3, vm0, $0xb8;
	[tilespmem:$0xA900] =	vst v63  }
0xe2: {  	v3 =	vld [tilespmem:$0x2830];
	_ =	sdelay $0x4  }
0xe3: {  	v59 =	vshll.u32 v3, $0x1  }
0xe4: {  	v3 =	vand.u32 $0x7, v3;
	v4 =	vand.u32 $0xFFFFFFF0, v59  }
0xe5: {  	v3 =	vor.u32 v3, v4  }
0xe6: {  	v4 =	vperm.xlane v3, v0;
	_ =	sdelay $0x1  }
0xe7: {  	v3 =	vperm.xlane v3, v2;
	v4 =	vadd.s32 v1, v4;
	_ =	sdelay $0x1  }
0xe8: {  	v3 =	vadd.s32 v1, v3;
	_ =	sdelay $0x2  }
0xe9: {  	[tilespmem:s24], [sflag:$0x1] =	stream.indirect_vreg.gather [hbm4b:s4+s5], $0x80, v4, vm0, $0xb8;
	[tilespmem:$0xA900] =	vst v63  }
0xea: {  	_ = 	snop  }
0xeb: {  	[tilespmem:s25], [sflag:$0x1] =	stream.indirect_vreg.gather [hbm4b:s4+s5], $0x80, v3, vm0, $0xb8;
	[tilespmem:$0xA900] =	vst v63  }
0xec: {  	v3 =	vld [tilespmem:$0x2840];
	_ =	sdelay $0x4  }
0xed: {  	v60 =	vshll.u32 v3, $0x1  }
0xee: {  	v3 =	vand.u32 $0x7, v3;
	v4 =	vand.u32 $0xFFFFFFF0, v60  }
0xef: {  	v3 =	vor.u32 v3, v4  }
0xf0: {  	v4 =	vperm.xlane v3, v0;
	_ =	sdelay $0x1  }
0xf1: {  	v3 =	vperm.xlane v3, v2;
	v4 =	vadd.s32 v1, v4;
	_ =	sdelay $0x1  }
0xf2: {  	v3 =	vadd.s32 v1, v3;
	_ =	sdelay $0x2  }
0xf3: {  	[tilespmem:s26], [sflag:$0x1] =	stream.indirect_vreg.gather [hbm4b:s4+s5], $0x80, v4, vm0, $0xb8;
	[tilespmem:$0xA900] =	vst v63  }
0xf4: {  	_ = 	snop  }
0xf5: {  	[tilespmem:s28], [sflag:$0x1] =	stream.indirect_vreg.gather [hbm4b:s4+s5], $0x80, v3, vm0, $0xb8;
	[tilespmem:$0xA900] =	vst v63  }
0xf6: {  	v3 =	vld [tilespmem:$0x2850];
	_ =	sdelay $0x4  }
0xf7: {  	v61 =	vshll.u32 v3, $0x1  }
0xf8: {  	v3 =	vand.u32 $0x7, v3;
	v4 =	vand.u32 $0xFFFFFFF0, v61  }
0xf9: {  	v3 =	vor.u32 v3, v4  }
0xfa: {  	v4 =	vperm.xlane v3, v0;
	_ =	sdelay $0x1  }
0xfb: {  	v3 =	vperm.xlane v3, v2;
	v4 =	vadd.s32 v1, v4;
	_ =	sdelay $0x1  }
0xfc: {  	v3 =	vadd.s32 v1, v3;
	_ =	sdelay $0x2  }
0xfd: {  	[tilespmem:s29], [sflag:$0x1] =	stream.indirect_vreg.gather [hbm4b:s4+s5], $0x80, v4, vm0, $0xb8;
	[tilespmem:$0xA900] =	vst v63  }
0xfe: {  	_ = 	snop  }
0xff: {  	[tilespmem:s30], [sflag:$0x1] =	stream.indirect_vreg.gather [hbm4b:s4+s5], $0x80, v3, vm0, $0xb8;
	[tilespmem:$0xA900] =	vst v63  }
0x100: {  	v3 =	vld [tilespmem:$0x2860];
	_ =	sdelay $0x4  }
0x101: {  	v62 =	vshll.u32 v3, $0x1  }
0x102: {  	v3 =	vand.u32 $0x7, v3;
	v4 =	vand.u32 $0xFFFFFFF0, v62  }
0x103: {  	v3 =	vor.u32 v3, v4  }
0x104: {  	v4 =	vperm.xlane v3, v0;
	_ =	sdelay $0x1  }
0x105: {  	v3 =	vperm.xlane v3, v2;
	v4 =	vadd.s32 v1, v4;
	_ =	sdelay $0x1  }
0x106: {  	v3 =	vadd.s32 v1, v3;
	_ =	sdelay $0x2  }
0x107: {  	[tilespmem:s31], [sflag:$0x1] =	stream.indirect_vreg.gather [hbm4b:s4+s5], $0x80, v4, vm0, $0xb8;
	[tilespmem:$0xA900] =	vst v63  }
0x108: {  	_ = 	snop  }
0x109: {  	[tilespmem:s0], [sflag:$0x1] =	stream.indirect_vreg.gather [hbm4b:s4+s5], $0x80, v3, vm0, $0xb8;
	[tilespmem:$0xA900] =	vst v63  }
0x10a: {  	v3 =	vld [tilespmem:$0x2870];
	_ =	sdelay $0x4  }
0x10b: {  	v63 =	vshll.u32 v3, $0x1  }
0x10c: {  	v3 =	vand.u32 $0x7, v3;
	v4 =	vand.u32 $0xFFFFFFF0, v63  }
0x10d: {  	v3 =	vor.u32 v3, v4  }
0x10e: {  	v4 =	vperm.xlane v3, v0;
	_ =	sdelay $0x1  }
0x10f: {  	v3 =	vperm.xlane v3, v2;
	v4 =	vadd.s32 v1, v4;
	_ =	sdelay $0x1  }
0x110: {  	v3 =	vadd.s32 v1, v3;
	_ =	sdelay $0x2  }
0x111: {  	[tilespmem:s2], [sflag:$0x1] =	stream.indirect_vreg.gather [hbm4b:s4+s5], $0x80, v4, vm0, $0xb8;
	[tilespmem:$0xA900] =	vst v63  }
0x112: {  	_ = 	snop  }
0x113: {  	[tilespmem:s1], [sflag:$0x1] =	stream.indirect_vreg.gather [hbm4b:s4+s5], $0x80, v3, vm0, $0xb8;
	[tilespmem:$0xA900] =	vst v63  }
0x114: {  	_ =	swait.ge [sflag:s7], $0x8000  }
0x115: {  	[sflag:s7] =	ssyncset.done $0x0  }
.Ltmp9:
0x116: {  	[sflag:s7] =	ssyncadd.s32 $0xFFFF8000;
	(pc) =	sbr.rel .LBB2_8-.Ltmp9, $4  }
0x117: {  	[hbm4b:s12+s5] =	stream.linear.scatter [tilespmem:s18], [sflag:$0x2], $0x8000, $0x38;
	[tilespmem:$0xA900] =	vst v63  }
0x118: {  	_ =	swait.ge [sflag:s15], $0x8000  }
0x119: {  	[sflag:s15] =	ssyncset.done $0x0  }
0x11a: {  	[sflag:s15] =	ssyncadd.s32 $0xFFFF8000  }
.LBB2_9:
.Ltmp10:
0x11b: {  	(pc) =	sbr.rel .LBB2_10-.Ltmp10, $3  }
0x11c: {  	_ =	sdelay $0x1  }
0x11d: {  	s12 =	rddreg [dreg:$0xb]  }
0x11e: {  	s11 =	simm.s32 $0x0;
	s13 =	rddreg [dreg:$0xa]  }
.LBB2_12:
0x11f: {  	s11 =	sadd.s32 $0x20, s11  }
0x120: {  	p0 =	sne.s32 s11, $0x80  }
.Ltmp11:
0x121: {  	_ = 	snop;
	(pc) =	sbr.rel @!p0 .LBB2_13-.Ltmp11, $2  }
0x122: {  	_ =	sdelay $0x2  }
0x123: {  	s13 =	sadd.s32 $0x140, s13;
	s12 =	sadd.s32 $0x14000, s12  }
.LBB2_10:
0x124: {  	s14 =	sadd.s32 s11, s10  }
0x125: {  	p0 =	sgt.u32 s14, $0x7C  }
.Ltmp12:
0x126: {  	_ = 	snop;
	(pc) =	sbr.rel @p0 .LBB2_12-.Ltmp12, $1  }
0x127: {  	_ =	sdelay $0x3  }
0x128: {  	[tilespmem:s8], [sflag:$0x3] =	stream.linear.gather [hbm4b:s13+s5], $0x50, $0x38;
	[tilespmem:$0xA900] =	vst v63  }
0x129: {  	_ =	swait.ge [sflag:s17], $0x50  }
0x12a: {  	[sflag:s17] =	ssyncset.done $0x0  }
0x12b: {  	[sflag:s17] =	ssyncadd.s32 $0xFFFFFFB0  }
0x12c: {  	v3 =	vld [tilespmem:$0x2880];
	_ =	sdelay $0x4  }
0x12d: {  	v4 =	vshll.u32 v3, $0x1  }
0x12e: {  	v3 =	vand.u32 $0x7, v3;
	v4 =	vand.u32 $0xFFFFFFF0, v4  }
0x12f: {  	v3 =	vor.u32 v3, v4  }
0x130: {  	v4 =	vperm.xlane v3, v0;
	_ =	sdelay $0x1  }
0x131: {  	v3 =	vperm.xlane v3, v2;
	v4 =	vadd.s32 v1, v4;
	_ =	sdelay $0x1  }
0x132: {  	v3 =	vadd.s32 v1, v3;
	_ =	sdelay $0x2  }
0x133: {  	[tilespmem:s18], [sflag:$0x1] =	stream.indirect_vreg.gather [hbm4b:s6+s5], $0x80, v4, vm0, $0xb8;
	[tilespmem:$0xA900] =	vst v63  }
0x134: {  	_ = 	snop  }
0x135: {  	[tilespmem:s19], [sflag:$0x1] =	stream.indirect_vreg.gather [hbm4b:s6+s5], $0x80, v3, vm0, $0xb8;
	[tilespmem:$0xA900] =	vst v63  }
0x136: {  	v3 =	vld [tilespmem:$0x2890];
	_ =	sdelay $0x4  }
0x137: {  	v60 =	vshll.u32 v3, $0x1  }
0x138: {  	v3 =	vand.u32 $0x7, v3;
	v4 =	vand.u32 $0xFFFFFFF0, v60  }
0x139: {  	v3 =	vor.u32 v3, v4  }
0x13a: {  	v4 =	vperm.xlane v3, v0;
	_ =	sdelay $0x1  }
0x13b: {  	v3 =	vperm.xlane v3, v2;
	v4 =	vadd.s32 v1, v4;
	_ =	sdelay $0x1  }
0x13c: {  	v3 =	vadd.s32 v1, v3;
	_ =	sdelay $0x2  }
0x13d: {  	[tilespmem:s20], [sflag:$0x1] =	stream.indirect_vreg.gather [hbm4b:s6+s5], $0x80, v4, vm0, $0xb8;
	[tilespmem:$0xA900] =	vst v63  }
0x13e: {  	_ = 	snop  }
0x13f: {  	[tilespmem:s21], [sflag:$0x1] =	stream.indirect_vreg.gather [hbm4b:s6+s5], $0x80, v3, vm0, $0xb8;
	[tilespmem:$0xA900] =	vst v63  }
0x140: {  	v3 =	vld [tilespmem:$0x28A0];
	_ =	sdelay $0x4  }
0x141: {  	v61 =	vshll.u32 v3, $0x1  }
0x142: {  	v3 =	vand.u32 $0x7, v3;
	v4 =	vand.u32 $0xFFFFFFF0, v61  }
0x143: {  	v3 =	vor.u32 v3, v4  }
0x144: {  	v4 =	vperm.xlane v3, v0;
	_ =	sdelay $0x1  }
0x145: {  	v3 =	vperm.xlane v3, v2;
	v4 =	vadd.s32 v1, v4;
	_ =	sdelay $0x1  }
0x146: {  	v3 =	vadd.s32 v1, v3;
	_ =	sdelay $0x2  }
0x147: {  	[tilespmem:s22], [sflag:$0x1] =	stream.indirect_vreg.gather [hbm4b:s6+s5], $0x80, v4, vm0, $0xb8;
	[tilespmem:$0xA900] =	vst v63  }
0x148: {  	_ = 	snop  }
0x149: {  	[tilespmem:s23], [sflag:$0x1] =	stream.indirect_vreg.gather [hbm4b:s6+s5], $0x80, v3, vm0, $0xb8;
	[tilespmem:$0xA900] =	vst v63  }
0x14a: {  	v3 =	vld [tilespmem:$0x28B0];
	_ =	sdelay $0x4  }
0x14b: {  	v62 =	vshll.u32 v3, $0x1  }
0x14c: {  	v3 =	vand.u32 $0x7, v3;
	v4 =	vand.u32 $0xFFFFFFF0, v62  }
0x14d: {  	v3 =	vor.u32 v3, v4  }
0x14e: {  	v4 =	vperm.xlane v3, v0;
	_ =	sdelay $0x1  }
0x14f: {  	v3 =	vperm.xlane v3, v2;
	v4 =	vadd.s32 v1, v4;
	_ =	sdelay $0x1  }
0x150: {  	v3 =	vadd.s32 v1, v3;
	_ =	sdelay $0x2  }
0x151: {  	[tilespmem:s24], [sflag:$0x1] =	stream.indirect_vreg.gather [hbm4b:s6+s5], $0x80, v4, vm0, $0xb8;
	[tilespmem:$0xA900] =	vst v63  }
0x152: {  	_ = 	snop  }
0x153: {  	[tilespmem:s25], [sflag:$0x1] =	stream.indirect_vreg.gather [hbm4b:s6+s5], $0x80, v3, vm0, $0xb8;
	[tilespmem:$0xA900] =	vst v63  }
0x154: {  	v3 =	vld [tilespmem:$0x28C0];
	_ =	sdelay $0x4  }
0x155: {  	v63 =	vshll.u32 v3, $0x1  }
0x156: {  	v3 =	vand.u32 $0x7, v3;
	v4 =	vand.u32 $0xFFFFFFF0, v63  }
0x157: {  	v3 =	vor.u32 v3, v4  }
0x158: {  	v4 =	vperm.xlane v3, v0;
	_ =	sdelay $0x1  }
0x159: {  	v3 =	vperm.xlane v3, v2;
	v4 =	vadd.s32 v1, v4;
	_ =	sdelay $0x1  }
0x15a: {  	v3 =	vadd.s32 v1, v3;
	_ =	sdelay $0x2  }
0x15b: {  	[tilespmem:s26], [sflag:$0x1] =	stream.indirect_vreg.gather [hbm4b:s6+s5], $0x80, v4, vm0, $0xb8;
	[tilespmem:$0xA900] =	vst v63  }
0x15c: {  	_ = 	snop  }
0x15d: {  	[tilespmem:s28], [sflag:$0x1] =	stream.indirect_vreg.gather [hbm4b:s6+s5], $0x80, v3, vm0, $0xb8;
	[tilespmem:$0xA900] =	vst v63  }
0x15e: {  	_ =	swait.ge [sflag:s7], $0x5000  }
0x15f: {  	[sflag:s7] =	ssyncset.done $0x0  }
.Ltmp13:
0x160: {  	[sflag:s7] =	ssyncadd.s32 $0xFFFFB000;
	(pc) =	sbr.rel .LBB2_12-.Ltmp13, $4  }
0x161: {  	[hbm4b:s12+s5] =	stream.linear.scatter [tilespmem:s18], [sflag:$0x2], $0x5000, $0x38;
	[tilespmem:$0xA900] =	vst v63  }
0x162: {  	_ =	swait.ge [sflag:s15], $0x5000  }
0x163: {  	[sflag:s15] =	ssyncset.done $0x0  }
0x164: {  	[sflag:s15] =	ssyncadd.s32 $0xFFFFB000  }
.LBB2_14:
0x165: {  	_ =	sfence.sel $0x180000  }
0x166: {  	[bflag:$0x0] =	sbarrier.arrive $0xFFFF  }
0x167: {  	_ =	strace $0x90000047  }
0x168: {  	s0 =	stileid.u32;
	[bflag:$0x2] =	sbarrier.arrive $0xFFFF  }
0x169: {  	p0 =	sne.s32 s0, $0x0;
	s0 =	rddreg [dreg:$0x4]  }
0x16a: {  	s0 =	sadd.s32 @!p0 $0x100000, s0  }
0x16b: {  	[sflag:s0] =	ssyncadd.tile.s32 @!p0 $0x1;
	_ =	shalt  }
.Lfunc_end2:
_tile_overlayer_lowered:
.L_overlay_start_2:
0x16c: {  	(tag) =	ssettag $0x2  }
0x16d: {  	s0 =	rddreg [dreg:$0x0];
	s2 =	stileid.u32  }
0x16e: {  	s1 =	rddreg [dreg:$0x1];
	p0 =	sne.s32 s2, $0x0  }
0x16f: {  	s3 =	rddreg [dreg:$0x2];
	[bflag:$0x3] =	sbarrier.arrive $0xFFFF;
	s2 =	simm.s32 @!p0 $0x1C02  }
0x170: {  	[timem:s3], [sflag:s2] =	dma.local @!p0 [hbm:s0], s1  }
0x171: {  	s0 =	simm.s32 @!p0 $0x2  }
0x172: {  	_ =	swait.ge @!p0 [sflag:s0], s1  }
0x173: {  	s1 =	ssub.s32 @!p0 $0x0, s1;
	[sflag:s0] =	ssyncset.done @!p0 $0x0  }
0x174: {  	[sflag:s0] =	ssyncadd.s32 @!p0 s1  }
0x175: {  	[bflag:$0x3] =	sbarrier.arrive $0xFFFF  }
0x176: {  	_ =	shalt  }

</sc_bundles>
